<compile_context>
chip_gen: v7x
topology: tpu7x:2x2x1
jax: 0.10.2.dev20260603
libtpu: 0.0.44.dev20260713+nightly
codegen_flags: <defaults>
</compile_context>

<pallas_src>
import functools

import jax
import jax.numpy as jnp
from jax import lax
from jax.experimental import pallas as pl
from jax.experimental.pallas import tpu as pltpu
from jax.experimental.pallas import tpu_sc as plsc

BATCH = 16384
EMBED_DIM = 16
LANES = 16
CHUNK = 128


def _make_sc_kernel(b_per_w: int):
    n_chunks = b_per_w // CHUNK
    mesh = plsc.VectorSubcoreMesh(core_axis_name="c", subcore_axis_name="s")

    @functools.partial(
        pl.kernel,
        mesh=mesh,
        out_type=jax.ShapeDtypeStruct((BATCH,), jnp.float32),
        compiler_params=pltpu.CompilerParams(
            needs_layout_passes=False, use_tc_tiling_on_sc=False),
        scratch_types=[
            pltpu.VMEM((n_chunks, CHUNK), jnp.int32),
            pltpu.VMEM((n_chunks, CHUNK), jnp.int32),
            pltpu.VMEM((b_per_w, EMBED_DIM), jnp.float32),
            pltpu.VMEM((b_per_w, EMBED_DIM), jnp.float32),
            pltpu.VMEM((b_per_w,), jnp.float32),
            pltpu.SemaphoreType.DMA,
        ],
    )
    def sc_kernel(user_hbm, songs_hbm, tab_hbm, out_hbm,
                  uidx, sidx, urows, srows, outv, sem):
        num_cores = 2
        wid = lax.axis_index("s") * num_cores + lax.axis_index("c")
        base = wid * b_per_w

        for c in range(n_chunks):
            pltpu.sync_copy(user_hbm.at[pl.ds(base + c * CHUNK, CHUNK)],
                            uidx.at[c])
            pltpu.sync_copy(songs_hbm.at[pl.ds(base + c * CHUNK, CHUNK)],
                            sidx.at[c])

        copies = []
        for c in range(n_chunks):
            copies.append(pltpu.async_copy(
                tab_hbm.at[uidx.at[c]],
                urows.at[pl.ds(c * CHUNK, CHUNK)], sem))
            copies.append(pltpu.async_copy(
                tab_hbm.at[sidx.at[c]],
                srows.at[pl.ds(c * CHUNK, CHUNK)], sem))
        for cp in copies:
            cp.wait()

        riota = lax.iota(jnp.int32, LANES)

        def g_body(g, carry):
            ridx = riota + g * LANES
            acc = jnp.zeros((LANES,), jnp.float32)
            for d in range(EMBED_DIM):
                dv = jnp.full((LANES,), d, jnp.int32)
                uc = plsc.load_gather(urows, [ridx, dv])
                sc = plsc.load_gather(srows, [ridx, dv])
                acc = acc + uc * sc
            plsc.store_scatter(outv, [ridx], acc)
            return carry

        lax.fori_loop(0, b_per_w // LANES, g_body, 0)

        pltpu.sync_copy(outv, out_hbm.at[pl.ds(base, b_per_w)])

    return sc_kernel


def kernel(user, songs, user_table, song_table):
    info = plsc.get_sparse_core_info()
    num_workers = info.num_cores * info.num_subcores
    b_per_w = BATCH // num_workers
    sc = _make_sc_kernel(b_per_w)
    n_users = user_table.shape[0]
    tab = jnp.concatenate([user_table, song_table], axis=0)
    out = sc(user.reshape(BATCH).astype(jnp.int32),
             songs.reshape(BATCH).astype(jnp.int32) + n_users,
             tab)
    return out.reshape(BATCH, 1)

# --- scband reference (transcript-rebuilt; emitter-appended) ---
"""Pipeline reference for scband-only-embeddings-recommender-72722386256391 (READ-ONLY COPY).

The authoritative reference and input builder live on the scoring server;
editing this copy changes nothing except your own understanding.
"""

import jax, jax.numpy as jnp
import numpy as np

NUM_USERS = 100000
NUM_SONGS = 1000000
EMBED_DIM = 16
BATCH = 16384

def setup_inputs(seed: int = 0) -> dict:
    key = jax.random.key(seed)
    k1, k2, k3, k4 = jax.random.split(key, 4)
    user = jax.random.randint(k1, (BATCH, 1), 0, NUM_USERS, dtype=jnp.int64 if jax.config.jax_enable_x64 else jnp.int32)
    songs = jax.random.randint(k2, (BATCH, 1), 0, NUM_SONGS, dtype=jnp.int64 if jax.config.jax_enable_x64 else jnp.int32)
    user_table = jax.random.uniform(k3, (NUM_USERS, EMBED_DIM), dtype=jnp.float32, minval=-0.05, maxval=0.05)
    song_table = jax.random.uniform(k4, (NUM_SONGS, EMBED_DIM), dtype=jnp.float32, minval=-0.05, maxval=0.05)
    return {"user": user, "songs": songs, "user_table": user_table, "song_table": song_table}

def reference(user, songs, user_table, song_table):
    # StaticHashTable lookup: keys are the identity range, so raw ids ARE the row indices
    user_embedding_index = user  # [B, 1]
    song_embedding_index = songs  # [B, 1]
    user_embedding_values = jnp.take(user_table, user_embedding_index, axis=0)  # [B, 1, D]
    song_embedding_values = jnp.take(song_table, song_embedding_index, axis=0)  # [B, 1, D]
    # keras Dot(axes=-1) -> [B, 1, 1], then tf.squeeze(..., 1) -> [B, 1]
    dot = jnp.sum(user_embedding_values * song_embedding_values, axis=-1, keepdims=True)  # [B, 1, 1]
    r = jnp.squeeze(dot, axis=1)  # [B, 1]
    return r

if __name__ == "__main__":
    import jax
    _d = setup_inputs()
    print(jax.jit(kernel)(*tuple(_d.values())))

</pallas_src>

<mosaic_0001>
#map = affine_map<(d0, d1) -> (0)>
#map1 = affine_map<(d0, d1) -> (0, 0)>
module attributes {stable_mosaic.version = 14 : i64} {
  func.func @sc_kernel(%arg0: i32, %arg1: i32, %arg2: memref<16384xi32, #tpu.memory_space<hbm>>, %arg3: memref<16384xi32, #tpu.memory_space<hbm>>, %arg4: memref<1100000x16xf32, #tpu.memory_space<hbm>>, %arg5: memref<16384xf32, #tpu.memory_space<hbm>>, %arg6: memref<4x128xi32, #tpu.memory_space<vmem>>, %arg7: memref<4x128xi32, #tpu.memory_space<vmem>>, %arg8: memref<512x16xf32, #tpu.memory_space<vmem>>, %arg9: memref<512x16xf32, #tpu.memory_space<vmem>>, %arg10: memref<512xf32, #tpu.memory_space<vmem>>, %arg11: memref<!tpu.dma_semaphore, #tpu.memory_space<semaphore_mem>>) attributes {dimension_semantics = [#tpu.dimension_semantics<core_parallel>, #tpu.dimension_semantics<subcore_parallel>], iteration_bounds = array<i64: 2, 16>, scalar_prefetch = 0 : i64, scratch_operands = 6 : i64, tpu.core_type = #tpu.core_type<sc_vector_subcore>, window_params = [{transform_indices = #map}, {transform_indices = #map}, {transform_indices = #map1}, {transform_indices = #map}]} {
    %mul3A = arith.constant 2 : i32
    %mul3A_0 = arith.muli %arg1, %mul3A : i32
    %add3A = arith.addi %mul3A_0, %arg0 : i32
    %mul3A_1 = arith.constant 512 : i32
    %mul3A_2 = arith.muli %add3A, %mul3A_1 : i32
    %add3A_3 = arith.constant 0 : i32
    %add3A_4 = arith.addi %mul3A_2, %add3A_3 : i32
    %run_scoped3A = arith.constant 0 : i32
    "tpu.region"() ({
      %run_scoped3A_189 = tpu.sem_alloc : memref<!tpu.dma_semaphore, #tpu.memory_space<semaphore_mem>>
      %dma_start3A_190 = arith.constant 0 : i32
      %dma_start3A_191 = tpu.memref_slice %arg6[%run_scoped3A, %dma_start3A_190] : memref<4x128xi32, #tpu.memory_space<vmem>> -> memref<1x128xi32, #tpu.memory_space<vmem>>
      %dma_start3A_192 = tpu.memref_squeeze %dma_start3A_191 : memref<1x128xi32, #tpu.memory_space<vmem>> -> memref<128xi32, #tpu.memory_space<vmem>>
      %dma_start3A_193 = tpu.memref_slice %arg2[%add3A_4] : memref<16384xi32, #tpu.memory_space<hbm>> -> memref<128xi32, #tpu.memory_space<hbm>>
      %dma_start3A_194 = arith.constant 0 : i32
      %dma_start3A_195 = tpu.memref_slice %arg6[%run_scoped3A, %dma_start3A_194] : memref<4x128xi32, #tpu.memory_space<vmem>> -> memref<1x128xi32, #tpu.memory_space<vmem>>
      %dma_start3A_196 = tpu.memref_squeeze %dma_start3A_195 : memref<1x128xi32, #tpu.memory_space<vmem>> -> memref<128xi32, #tpu.memory_space<vmem>>
      %dma_start3A_197 = tpu.memref_slice %arg2[%add3A_4] : memref<16384xi32, #tpu.memory_space<hbm>> -> memref<128xi32, #tpu.memory_space<hbm>>
      tpu.enqueue_dma source(%dma_start3A_197 : memref<128xi32, #tpu.memory_space<hbm>>) target(%dma_start3A_196 : memref<128xi32, #tpu.memory_space<vmem>>) target_semaphore(%run_scoped3A_189 : memref<!tpu.dma_semaphore, #tpu.memory_space<semaphore_mem>>)
      %dma_wait3A_198 = arith.constant 0 : i32
      %dma_wait3A_199 = tpu.memref_slice %arg6[%run_scoped3A, %dma_wait3A_198] : memref<4x128xi32, #tpu.memory_space<vmem>> -> memref<1x128xi32, #tpu.memory_space<vmem>>
      %dma_wait3A_200 = tpu.memref_squeeze %dma_wait3A_199 : memref<1x128xi32, #tpu.memory_space<vmem>> -> memref<128xi32, #tpu.memory_space<vmem>>
      %dma_wait3A_201 = tpu.memref_slice %arg2[%add3A_4] : memref<16384xi32, #tpu.memory_space<hbm>> -> memref<128xi32, #tpu.memory_space<hbm>>
      %dma_wait3A_202 = arith.constant 0 : i32
      %dma_wait3A_203 = tpu.memref_slice %arg6[%run_scoped3A, %dma_wait3A_202] : memref<4x128xi32, #tpu.memory_space<vmem>> -> memref<1x128xi32, #tpu.memory_space<vmem>>
      %dma_wait3A_204 = tpu.memref_squeeze %dma_wait3A_203 : memref<1x128xi32, #tpu.memory_space<vmem>> -> memref<128xi32, #tpu.memory_space<vmem>>
      %dma_wait3A_205 = tpu.memref_slice %arg2[%add3A_4] : memref<16384xi32, #tpu.memory_space<hbm>> -> memref<128xi32, #tpu.memory_space<hbm>>
      tpu.wait_dma2 semaphore(%run_scoped3A_189 : memref<!tpu.dma_semaphore, #tpu.memory_space<semaphore_mem>>) src(%dma_wait3A_205 : memref<128xi32, #tpu.memory_space<hbm>>) dst(%dma_wait3A_204 : memref<128xi32, #tpu.memory_space<vmem>>)
      tpu.yield
    }) : () -> ()
    %add3A_5 = arith.constant 0 : i32
    %add3A_6 = arith.addi %mul3A_2, %add3A_5 : i32
    %run_scoped3A_7 = arith.constant 0 : i32
    "tpu.region"() ({
      %run_scoped3A_189 = tpu.sem_alloc : memref<!tpu.dma_semaphore, #tpu.memory_space<semaphore_mem>>
      %dma_start3A_190 = arith.constant 0 : i32
      %dma_start3A_191 = tpu.memref_slice %arg7[%run_scoped3A_7, %dma_start3A_190] : memref<4x128xi32, #tpu.memory_space<vmem>> -> memref<1x128xi32, #tpu.memory_space<vmem>>
      %dma_start3A_192 = tpu.memref_squeeze %dma_start3A_191 : memref<1x128xi32, #tpu.memory_space<vmem>> -> memref<128xi32, #tpu.memory_space<vmem>>
      %dma_start3A_193 = tpu.memref_slice %arg3[%add3A_6] : memref<16384xi32, #tpu.memory_space<hbm>> -> memref<128xi32, #tpu.memory_space<hbm>>
      %dma_start3A_194 = arith.constant 0 : i32
      %dma_start3A_195 = tpu.memref_slice %arg7[%run_scoped3A_7, %dma_start3A_194] : memref<4x128xi32, #tpu.memory_space<vmem>> -> memref<1x128xi32, #tpu.memory_space<vmem>>
      %dma_start3A_196 = tpu.memref_squeeze %dma_start3A_195 : memref<1x128xi32, #tpu.memory_space<vmem>> -> memref<128xi32, #tpu.memory_space<vmem>>
      %dma_start3A_197 = tpu.memref_slice %arg3[%add3A_6] : memref<16384xi32, #tpu.memory_space<hbm>> -> memref<128xi32, #tpu.memory_space<hbm>>
      tpu.enqueue_dma source(%dma_start3A_197 : memref<128xi32, #tpu.memory_space<hbm>>) target(%dma_start3A_196 : memref<128xi32, #tpu.memory_space<vmem>>) target_semaphore(%run_scoped3A_189 : memref<!tpu.dma_semaphore, #tpu.memory_space<semaphore_mem>>)
      %dma_wait3A_198 = arith.constant 0 : i32
      %dma_wait3A_199 = tpu.memref_slice %arg7[%run_scoped3A_7, %dma_wait3A_198] : memref<4x128xi32, #tpu.memory_space<vmem>> -> memref<1x128xi32, #tpu.memory_space<vmem>>
      %dma_wait3A_200 = tpu.memref_squeeze %dma_wait3A_199 : memref<1x128xi32, #tpu.memory_space<vmem>> -> memref<128xi32, #tpu.memory_space<vmem>>
      %dma_wait3A_201 = tpu.memref_slice %arg3[%add3A_6] : memref<16384xi32, #tpu.memory_space<hbm>> -> memref<128xi32, #tpu.memory_space<hbm>>
      %dma_wait3A_202 = arith.constant 0 : i32
      %dma_wait3A_203 = tpu.memref_slice %arg7[%run_scoped3A_7, %dma_wait3A_202] : memref<4x128xi32, #tpu.memory_space<vmem>> -> memref<1x128xi32, #tpu.memory_space<vmem>>
      %dma_wait3A_204 = tpu.memref_squeeze %dma_wait3A_203 : memref<1x128xi32, #tpu.memory_space<vmem>> -> memref<128xi32, #tpu.memory_space<vmem>>
      %dma_wait3A_205 = tpu.memref_slice %arg3[%add3A_6] : memref<16384xi32, #tpu.memory_space<hbm>> -> memref<128xi32, #tpu.memory_space<hbm>>
      tpu.wait_dma2 semaphore(%run_scoped3A_189 : memref<!tpu.dma_semaphore, #tpu.memory_space<semaphore_mem>>) src(%dma_wait3A_205 : memref<128xi32, #tpu.memory_space<hbm>>) dst(%dma_wait3A_204 : memref<128xi32, #tpu.memory_space<vmem>>)
      tpu.yield
    }) : () -> ()
    %add3A_8 = arith.constant 128 : i32
    %add3A_9 = arith.addi %mul3A_2, %add3A_8 : i32
    %run_scoped3A_10 = arith.constant 1 : i32
    "tpu.region"() ({
      %run_scoped3A_189 = tpu.sem_alloc : memref<!tpu.dma_semaphore, #tpu.memory_space<semaphore_mem>>
      %dma_start3A_190 = arith.constant 0 : i32
      %dma_start3A_191 = tpu.memref_slice %arg6[%run_scoped3A_10, %dma_start3A_190] : memref<4x128xi32, #tpu.memory_space<vmem>> -> memref<1x128xi32, #tpu.memory_space<vmem>>
      %dma_start3A_192 = tpu.memref_squeeze %dma_start3A_191 : memref<1x128xi32, #tpu.memory_space<vmem>> -> memref<128xi32, #tpu.memory_space<vmem>>
      %dma_start3A_193 = tpu.memref_slice %arg2[%add3A_9] : memref<16384xi32, #tpu.memory_space<hbm>> -> memref<128xi32, #tpu.memory_space<hbm>>
      %dma_start3A_194 = arith.constant 0 : i32
      %dma_start3A_195 = tpu.memref_slice %arg6[%run_scoped3A_10, %dma_start3A_194] : memref<4x128xi32, #tpu.memory_space<vmem>> -> memref<1x128xi32, #tpu.memory_space<vmem>>
      %dma_start3A_196 = tpu.memref_squeeze %dma_start3A_195 : memref<1x128xi32, #tpu.memory_space<vmem>> -> memref<128xi32, #tpu.memory_space<vmem>>
      %dma_start3A_197 = tpu.memref_slice %arg2[%add3A_9] : memref<16384xi32, #tpu.memory_space<hbm>> -> memref<128xi32, #tpu.memory_space<hbm>>
      tpu.enqueue_dma source(%dma_start3A_197 : memref<128xi32, #tpu.memory_space<hbm>>) target(%dma_start3A_196 : memref<128xi32, #tpu.memory_space<vmem>>) target_semaphore(%run_scoped3A_189 : memref<!tpu.dma_semaphore, #tpu.memory_space<semaphore_mem>>)
      %dma_wait3A_198 = arith.constant 0 : i32
      %dma_wait3A_199 = tpu.memref_slice %arg6[%run_scoped3A_10, %dma_wait3A_198] : memref<4x128xi32, #tpu.memory_space<vmem>> -> memref<1x128xi32, #tpu.memory_space<vmem>>
      %dma_wait3A_200 = tpu.memref_squeeze %dma_wait3A_199 : memref<1x128xi32, #tpu.memory_space<vmem>> -> memref<128xi32, #tpu.memory_space<vmem>>
      %dma_wait3A_201 = tpu.memref_slice %arg2[%add3A_9] : memref<16384xi32, #tpu.memory_space<hbm>> -> memref<128xi32, #tpu.memory_space<hbm>>
      %dma_wait3A_202 = arith.constant 0 : i32
      %dma_wait3A_203 = tpu.memref_slice %arg6[%run_scoped3A_10, %dma_wait3A_202] : memref<4x128xi32, #tpu.memory_space<vmem>> -> memref<1x128xi32, #tpu.memory_space<vmem>>
      %dma_wait3A_204 = tpu.memref_squeeze %dma_wait3A_203 : memref<1x128xi32, #tpu.memory_space<vmem>> -> memref<128xi32, #tpu.memory_space<vmem>>
      %dma_wait3A_205 = tpu.memref_slice %arg2[%add3A_9] : memref<16384xi32, #tpu.memory_space<hbm>> -> memref<128xi32, #tpu.memory_space<hbm>>
      tpu.wait_dma2 semaphore(%run_scoped3A_189 : memref<!tpu.dma_semaphore, #tpu.memory_space<semaphore_mem>>) src(%dma_wait3A_205 : memref<128xi32, #tpu.memory_space<hbm>>) dst(%dma_wait3A_204 : memref<128xi32, #tpu.memory_space<vmem>>)
      tpu.yield
    }) : () -> ()
    %add3A_11 = arith.constant 128 : i32
    %add3A_12 = arith.addi %mul3A_2, %add3A_11 : i32
    %run_scoped3A_13 = arith.constant 1 : i32
    "tpu.region"() ({
      %run_scoped3A_189 = tpu.sem_alloc : memref<!tpu.dma_semaphore, #tpu.memory_space<semaphore_mem>>
      %dma_start3A_190 = arith.constant 0 : i32
      %dma_start3A_191 = tpu.memref_slice %arg7[%run_scoped3A_13, %dma_start3A_190] : memref<4x128xi32, #tpu.memory_space<vmem>> -> memref<1x128xi32, #tpu.memory_space<vmem>>
      %dma_start3A_192 = tpu.memref_squeeze %dma_start3A_191 : memref<1x128xi32, #tpu.memory_space<vmem>> -> memref<128xi32, #tpu.memory_space<vmem>>
      %dma_start3A_193 = tpu.memref_slice %arg3[%add3A_12] : memref<16384xi32, #tpu.memory_space<hbm>> -> memref<128xi32, #tpu.memory_space<hbm>>
      %dma_start3A_194 = arith.constant 0 : i32
      %dma_start3A_195 = tpu.memref_slice %arg7[%run_scoped3A_13, %dma_start3A_194] : memref<4x128xi32, #tpu.memory_space<vmem>> -> memref<1x128xi32, #tpu.memory_space<vmem>>
      %dma_start3A_196 = tpu.memref_squeeze %dma_start3A_195 : memref<1x128xi32, #tpu.memory_space<vmem>> -> memref<128xi32, #tpu.memory_space<vmem>>
      %dma_start3A_197 = tpu.memref_slice %arg3[%add3A_12] : memref<16384xi32, #tpu.memory_space<hbm>> -> memref<128xi32, #tpu.memory_space<hbm>>
      tpu.enqueue_dma source(%dma_start3A_197 : memref<128xi32, #tpu.memory_space<hbm>>) target(%dma_start3A_196 : memref<128xi32, #tpu.memory_space<vmem>>) target_semaphore(%run_scoped3A_189 : memref<!tpu.dma_semaphore, #tpu.memory_space<semaphore_mem>>)
      %dma_wait3A_198 = arith.constant 0 : i32
      %dma_wait3A_199 = tpu.memref_slice %arg7[%run_scoped3A_13, %dma_wait3A_198] : memref<4x128xi32, #tpu.memory_space<vmem>> -> memref<1x128xi32, #tpu.memory_space<vmem>>
      %dma_wait3A_200 = tpu.memref_squeeze %dma_wait3A_199 : memref<1x128xi32, #tpu.memory_space<vmem>> -> memref<128xi32, #tpu.memory_space<vmem>>
      %dma_wait3A_201 = tpu.memref_slice %arg3[%add3A_12] : memref<16384xi32, #tpu.memory_space<hbm>> -> memref<128xi32, #tpu.memory_space<hbm>>
      %dma_wait3A_202 = arith.constant 0 : i32
      %dma_wait3A_203 = tpu.memref_slice %arg7[%run_scoped3A_13, %dma_wait3A_202] : memref<4x128xi32, #tpu.memory_space<vmem>> -> memref<1x128xi32, #tpu.memory_space<vmem>>
      %dma_wait3A_204 = tpu.memref_squeeze %dma_wait3A_203 : memref<1x128xi32, #tpu.memory_space<vmem>> -> memref<128xi32, #tpu.memory_space<vmem>>
      %dma_wait3A_205 = tpu.memref_slice %arg3[%add3A_12] : memref<16384xi32, #tpu.memory_space<hbm>> -> memref<128xi32, #tpu.memory_space<hbm>>
      tpu.wait_dma2 semaphore(%run_scoped3A_189 : memref<!tpu.dma_semaphore, #tpu.memory_space<semaphore_mem>>) src(%dma_wait3A_205 : memref<128xi32, #tpu.memory_space<hbm>>) dst(%dma_wait3A_204 : memref<128xi32, #tpu.memory_space<vmem>>)
      tpu.yield
    }) : () -> ()
    %add3A_14 = arith.constant 256 : i32
    %add3A_15 = arith.addi %mul3A_2, %add3A_14 : i32
    %run_scoped3A_16 = arith.constant 2 : i32
    "tpu.region"() ({
      %run_scoped3A_189 = tpu.sem_alloc : memref<!tpu.dma_semaphore, #tpu.memory_space<semaphore_mem>>
      %dma_start3A_190 = arith.constant 0 : i32
      %dma_start3A_191 = tpu.memref_slice %arg6[%run_scoped3A_16, %dma_start3A_190] : memref<4x128xi32, #tpu.memory_space<vmem>> -> memref<1x128xi32, #tpu.memory_space<vmem>>
      %dma_start3A_192 = tpu.memref_squeeze %dma_start3A_191 : memref<1x128xi32, #tpu.memory_space<vmem>> -> memref<128xi32, #tpu.memory_space<vmem>>
      %dma_start3A_193 = tpu.memref_slice %arg2[%add3A_15] : memref<16384xi32, #tpu.memory_space<hbm>> -> memref<128xi32, #tpu.memory_space<hbm>>
      %dma_start3A_194 = arith.constant 0 : i32
      %dma_start3A_195 = tpu.memref_slice %arg6[%run_scoped3A_16, %dma_start3A_194] : memref<4x128xi32, #tpu.memory_space<vmem>> -> memref<1x128xi32, #tpu.memory_space<vmem>>
      %dma_start3A_196 = tpu.memref_squeeze %dma_start3A_195 : memref<1x128xi32, #tpu.memory_space<vmem>> -> memref<128xi32, #tpu.memory_space<vmem>>
      %dma_start3A_197 = tpu.memref_slice %arg2[%add3A_15] : memref<16384xi32, #tpu.memory_space<hbm>> -> memref<128xi32, #tpu.memory_space<hbm>>
      tpu.enqueue_dma source(%dma_start3A_197 : memref<128xi32, #tpu.memory_space<hbm>>) target(%dma_start3A_196 : memref<128xi32, #tpu.memory_space<vmem>>) target_semaphore(%run_scoped3A_189 : memref<!tpu.dma_semaphore, #tpu.memory_space<semaphore_mem>>)
      %dma_wait3A_198 = arith.constant 0 : i32
      %dma_wait3A_199 = tpu.memref_slice %arg6[%run_scoped3A_16, %dma_wait3A_198] : memref<4x128xi32, #tpu.memory_space<vmem>> -> memref<1x128xi32, #tpu.memory_space<vmem>>
      %dma_wait3A_200 = tpu.memref_squeeze %dma_wait3A_199 : memref<1x128xi32, #tpu.memory_space<vmem>> -> memref<128xi32, #tpu.memory_space<vmem>>
      %dma_wait3A_201 = tpu.memref_slice %arg2[%add3A_15] : memref<16384xi32, #tpu.memory_space<hbm>> -> memref<128xi32, #tpu.memory_space<hbm>>
      %dma_wait3A_202 = arith.constant 0 : i32
      %dma_wait3A_203 = tpu.memref_slice %arg6[%run_scoped3A_16, %dma_wait3A_202] : memref<4x128xi32, #tpu.memory_space<vmem>> -> memref<1x128xi32, #tpu.memory_space<vmem>>
      %dma_wait3A_204 = tpu.memref_squeeze %dma_wait3A_203 : memref<1x128xi32, #tpu.memory_space<vmem>> -> memref<128xi32, #tpu.memory_space<vmem>>
      %dma_wait3A_205 = tpu.memref_slice %arg2[%add3A_15] : memref<16384xi32, #tpu.memory_space<hbm>> -> memref<128xi32, #tpu.memory_space<hbm>>
      tpu.wait_dma2 semaphore(%run_scoped3A_189 : memref<!tpu.dma_semaphore, #tpu.memory_space<semaphore_mem>>) src(%dma_wait3A_205 : memref<128xi32, #tpu.memory_space<hbm>>) dst(%dma_wait3A_204 : memref<128xi32, #tpu.memory_space<vmem>>)
      tpu.yield
    }) : () -> ()
    %add3A_17 = arith.constant 256 : i32
    %add3A_18 = arith.addi %mul3A_2, %add3A_17 : i32
    %run_scoped3A_19 = arith.constant 2 : i32
    "tpu.region"() ({
      %run_scoped3A_189 = tpu.sem_alloc : memref<!tpu.dma_semaphore, #tpu.memory_space<semaphore_mem>>
      %dma_start3A_190 = arith.constant 0 : i32
      %dma_start3A_191 = tpu.memref_slice %arg7[%run_scoped3A_19, %dma_start3A_190] : memref<4x128xi32, #tpu.memory_space<vmem>> -> memref<1x128xi32, #tpu.memory_space<vmem>>
      %dma_start3A_192 = tpu.memref_squeeze %dma_start3A_191 : memref<1x128xi32, #tpu.memory_space<vmem>> -> memref<128xi32, #tpu.memory_space<vmem>>
      %dma_start3A_193 = tpu.memref_slice %arg3[%add3A_18] : memref<16384xi32, #tpu.memory_space<hbm>> -> memref<128xi32, #tpu.memory_space<hbm>>
      %dma_start3A_194 = arith.constant 0 : i32
      %dma_start3A_195 = tpu.memref_slice %arg7[%run_scoped3A_19, %dma_start3A_194] : memref<4x128xi32, #tpu.memory_space<vmem>> -> memref<1x128xi32, #tpu.memory_space<vmem>>
      %dma_start3A_196 = tpu.memref_squeeze %dma_start3A_195 : memref<1x128xi32, #tpu.memory_space<vmem>> -> memref<128xi32, #tpu.memory_space<vmem>>
      %dma_start3A_197 = tpu.memref_slice %arg3[%add3A_18] : memref<16384xi32, #tpu.memory_space<hbm>> -> memref<128xi32, #tpu.memory_space<hbm>>
      tpu.enqueue_dma source(%dma_start3A_197 : memref<128xi32, #tpu.memory_space<hbm>>) target(%dma_start3A_196 : memref<128xi32, #tpu.memory_space<vmem>>) target_semaphore(%run_scoped3A_189 : memref<!tpu.dma_semaphore, #tpu.memory_space<semaphore_mem>>)
      %dma_wait3A_198 = arith.constant 0 : i32
      %dma_wait3A_199 = tpu.memref_slice %arg7[%run_scoped3A_19, %dma_wait3A_198] : memref<4x128xi32, #tpu.memory_space<vmem>> -> memref<1x128xi32, #tpu.memory_space<vmem>>
      %dma_wait3A_200 = tpu.memref_squeeze %dma_wait3A_199 : memref<1x128xi32, #tpu.memory_space<vmem>> -> memref<128xi32, #tpu.memory_space<vmem>>
      %dma_wait3A_201 = tpu.memref_slice %arg3[%add3A_18] : memref<16384xi32, #tpu.memory_space<hbm>> -> memref<128xi32, #tpu.memory_space<hbm>>
      %dma_wait3A_202 = arith.constant 0 : i32
      %dma_wait3A_203 = tpu.memref_slice %arg7[%run_scoped3A_19, %dma_wait3A_202] : memref<4x128xi32, #tpu.memory_space<vmem>> -> memref<1x128xi32, #tpu.memory_space<vmem>>
      %dma_wait3A_204 = tpu.memref_squeeze %dma_wait3A_203 : memref<1x128xi32, #tpu.memory_space<vmem>> -> memref<128xi32, #tpu.memory_space<vmem>>
      %dma_wait3A_205 = tpu.memref_slice %arg3[%add3A_18] : memref<16384xi32, #tpu.memory_space<hbm>> -> memref<128xi32, #tpu.memory_space<hbm>>
      tpu.wait_dma2 semaphore(%run_scoped3A_189 : memref<!tpu.dma_semaphore, #tpu.memory_space<semaphore_mem>>) src(%dma_wait3A_205 : memref<128xi32, #tpu.memory_space<hbm>>) dst(%dma_wait3A_204 : memref<128xi32, #tpu.memory_space<vmem>>)
      tpu.yield
    }) : () -> ()
    %add3A_20 = arith.constant 384 : i32
    %add3A_21 = arith.addi %mul3A_2, %add3A_20 : i32
    %run_scoped3A_22 = arith.constant 3 : i32
    "tpu.region"() ({
      %run_scoped3A_189 = tpu.sem_alloc : memref<!tpu.dma_semaphore, #tpu.memory_space<semaphore_mem>>
      %dma_start3A_190 = arith.constant 0 : i32
      %dma_start3A_191 = tpu.memref_slice %arg6[%run_scoped3A_22, %dma_start3A_190] : memref<4x128xi32, #tpu.memory_space<vmem>> -> memref<1x128xi32, #tpu.memory_space<vmem>>
      %dma_start3A_192 = tpu.memref_squeeze %dma_start3A_191 : memref<1x128xi32, #tpu.memory_space<vmem>> -> memref<128xi32, #tpu.memory_space<vmem>>
      %dma_start3A_193 = tpu.memref_slice %arg2[%add3A_21] : memref<16384xi32, #tpu.memory_space<hbm>> -> memref<128xi32, #tpu.memory_space<hbm>>
      %dma_start3A_194 = arith.constant 0 : i32
      %dma_start3A_195 = tpu.memref_slice %arg6[%run_scoped3A_22, %dma_start3A_194] : memref<4x128xi32, #tpu.memory_space<vmem>> -> memref<1x128xi32, #tpu.memory_space<vmem>>
      %dma_start3A_196 = tpu.memref_squeeze %dma_start3A_195 : memref<1x128xi32, #tpu.memory_space<vmem>> -> memref<128xi32, #tpu.memory_space<vmem>>
      %dma_start3A_197 = tpu.memref_slice %arg2[%add3A_21] : memref<16384xi32, #tpu.memory_space<hbm>> -> memref<128xi32, #tpu.memory_space<hbm>>
      tpu.enqueue_dma source(%dma_start3A_197 : memref<128xi32, #tpu.memory_space<hbm>>) target(%dma_start3A_196 : memref<128xi32, #tpu.memory_space<vmem>>) target_semaphore(%run_scoped3A_189 : memref<!tpu.dma_semaphore, #tpu.memory_space<semaphore_mem>>)
      %dma_wait3A_198 = arith.constant 0 : i32
      %dma_wait3A_199 = tpu.memref_slice %arg6[%run_scoped3A_22, %dma_wait3A_198] : memref<4x128xi32, #tpu.memory_space<vmem>> -> memref<1x128xi32, #tpu.memory_space<vmem>>
      %dma_wait3A_200 = tpu.memref_squeeze %dma_wait3A_199 : memref<1x128xi32, #tpu.memory_space<vmem>> -> memref<128xi32, #tpu.memory_space<vmem>>
      %dma_wait3A_201 = tpu.memref_slice %arg2[%add3A_21] : memref<16384xi32, #tpu.memory_space<hbm>> -> memref<128xi32, #tpu.memory_space<hbm>>
      %dma_wait3A_202 = arith.constant 0 : i32
      %dma_wait3A_203 = tpu.memref_slice %arg6[%run_scoped3A_22, %dma_wait3A_202] : memref<4x128xi32, #tpu.memory_space<vmem>> -> memref<1x128xi32, #tpu.memory_space<vmem>>
      %dma_wait3A_204 = tpu.memref_squeeze %dma_wait3A_203 : memref<1x128xi32, #tpu.memory_space<vmem>> -> memref<128xi32, #tpu.memory_space<vmem>>
      %dma_wait3A_205 = tpu.memref_slice %arg2[%add3A_21] : memref<16384xi32, #tpu.memory_space<hbm>> -> memref<128xi32, #tpu.memory_space<hbm>>
      tpu.wait_dma2 semaphore(%run_scoped3A_189 : memref<!tpu.dma_semaphore, #tpu.memory_space<semaphore_mem>>) src(%dma_wait3A_205 : memref<128xi32, #tpu.memory_space<hbm>>) dst(%dma_wait3A_204 : memref<128xi32, #tpu.memory_space<vmem>>)
      tpu.yield
    }) : () -> ()
    %add3A_23 = arith.constant 384 : i32
    %add3A_24 = arith.addi %mul3A_2, %add3A_23 : i32
    %run_scoped3A_25 = arith.constant 3 : i32
    "tpu.region"() ({
      %run_scoped3A_189 = tpu.sem_alloc : memref<!tpu.dma_semaphore, #tpu.memory_space<semaphore_mem>>
      %dma_start3A_190 = arith.constant 0 : i32
      %dma_start3A_191 = tpu.memref_slice %arg7[%run_scoped3A_25, %dma_start3A_190] : memref<4x128xi32, #tpu.memory_space<vmem>> -> memref<1x128xi32, #tpu.memory_space<vmem>>
      %dma_start3A_192 = tpu.memref_squeeze %dma_start3A_191 : memref<1x128xi32, #tpu.memory_space<vmem>> -> memref<128xi32, #tpu.memory_space<vmem>>
      %dma_start3A_193 = tpu.memref_slice %arg3[%add3A_24] : memref<16384xi32, #tpu.memory_space<hbm>> -> memref<128xi32, #tpu.memory_space<hbm>>
      %dma_start3A_194 = arith.constant 0 : i32
      %dma_start3A_195 = tpu.memref_slice %arg7[%run_scoped3A_25, %dma_start3A_194] : memref<4x128xi32, #tpu.memory_space<vmem>> -> memref<1x128xi32, #tpu.memory_space<vmem>>
      %dma_start3A_196 = tpu.memref_squeeze %dma_start3A_195 : memref<1x128xi32, #tpu.memory_space<vmem>> -> memref<128xi32, #tpu.memory_space<vmem>>
      %dma_start3A_197 = tpu.memref_slice %arg3[%add3A_24] : memref<16384xi32, #tpu.memory_space<hbm>> -> memref<128xi32, #tpu.memory_space<hbm>>
      tpu.enqueue_dma source(%dma_start3A_197 : memref<128xi32, #tpu.memory_space<hbm>>) target(%dma_start3A_196 : memref<128xi32, #tpu.memory_space<vmem>>) target_semaphore(%run_scoped3A_189 : memref<!tpu.dma_semaphore, #tpu.memory_space<semaphore_mem>>)
      %dma_wait3A_198 = arith.constant 0 : i32
      %dma_wait3A_199 = tpu.memref_slice %arg7[%run_scoped3A_25, %dma_wait3A_198] : memref<4x128xi32, #tpu.memory_space<vmem>> -> memref<1x128xi32, #tpu.memory_space<vmem>>
      %dma_wait3A_200 = tpu.memref_squeeze %dma_wait3A_199 : memref<1x128xi32, #tpu.memory_space<vmem>> -> memref<128xi32, #tpu.memory_space<vmem>>
      %dma_wait3A_201 = tpu.memref_slice %arg3[%add3A_24] : memref<16384xi32, #tpu.memory_space<hbm>> -> memref<128xi32, #tpu.memory_space<hbm>>
      %dma_wait3A_202 = arith.constant 0 : i32
      %dma_wait3A_203 = tpu.memref_slice %arg7[%run_scoped3A_25, %dma_wait3A_202] : memref<4x128xi32, #tpu.memory_space<vmem>> -> memref<1x128xi32, #tpu.memory_space<vmem>>
      %dma_wait3A_204 = tpu.memref_squeeze %dma_wait3A_203 : memref<1x128xi32, #tpu.memory_space<vmem>> -> memref<128xi32, #tpu.memory_space<vmem>>
      %dma_wait3A_205 = tpu.memref_slice %arg3[%add3A_24] : memref<16384xi32, #tpu.memory_space<hbm>> -> memref<128xi32, #tpu.memory_space<hbm>>
      tpu.wait_dma2 semaphore(%run_scoped3A_189 : memref<!tpu.dma_semaphore, #tpu.memory_space<semaphore_mem>>) src(%dma_wait3A_205 : memref<128xi32, #tpu.memory_space<hbm>>) dst(%dma_wait3A_204 : memref<128xi32, #tpu.memory_space<vmem>>)
      tpu.yield
    }) : () -> ()
    %dma_start3A = arith.constant 0 : i32
    %dma_start3A_26 = arith.constant 0 : i32
    %dma_start3A_27 = arith.constant 0 : i32
    %dma_start3A_28 = tpu.memref_slice %arg8[%dma_start3A_26, %dma_start3A_27] : memref<512x16xf32, #tpu.memory_space<vmem>> -> memref<128x16xf32, #tpu.memory_space<vmem>>
    %dma_start3A_29 = arith.constant 0 : i32
    %dma_start3A_30 = tpu.memref_slice %arg6[%dma_start3A, %dma_start3A_29] : memref<4x128xi32, #tpu.memory_space<vmem>> -> memref<1x128xi32, #tpu.memory_space<vmem>>
    %dma_start3A_31 = tpu.memref_squeeze %dma_start3A_30 : memref<1x128xi32, #tpu.memory_space<vmem>> -> memref<128xi32, #tpu.memory_space<vmem>>
    %dma_start3A_32 = arith.constant 0 : i32
    %dma_start3A_33 = arith.constant 0 : i32
    %dma_start3A_34 = tpu.memref_slice %arg4[%dma_start3A_32, %dma_start3A_33] : memref<1100000x16xf32, #tpu.memory_space<hbm>> -> memref<1100000x16xf32, #tpu.memory_space<hbm>>
    tpu.enqueue_indirect_dma source(%dma_start3A_34 : memref<1100000x16xf32, #tpu.memory_space<hbm>>) target(%dma_start3A_28 : memref<128x16xf32, #tpu.memory_space<vmem>>) offsets(%dma_start3A_31 : memref<128xi32, #tpu.memory_space<vmem>>) semaphore(%arg11 : memref<!tpu.dma_semaphore, #tpu.memory_space<semaphore_mem>>)
    %dma_start3A_35 = arith.constant 0 : i32
    %dma_start3A_36 = arith.constant 0 : i32
    %dma_start3A_37 = arith.constant 0 : i32
    %dma_start3A_38 = tpu.memref_slice %arg9[%dma_start3A_36, %dma_start3A_37] : memref<512x16xf32, #tpu.memory_space<vmem>> -> memref<128x16xf32, #tpu.memory_space<vmem>>
    %dma_start3A_39 = arith.constant 0 : i32
    %dma_start3A_40 = tpu.memref_slice %arg7[%dma_start3A_35, %dma_start3A_39] : memref<4x128xi32, #tpu.memory_space<vmem>> -> memref<1x128xi32, #tpu.memory_space<vmem>>
    %dma_start3A_41 = tpu.memref_squeeze %dma_start3A_40 : memref<1x128xi32, #tpu.memory_space<vmem>> -> memref<128xi32, #tpu.memory_space<vmem>>
    %dma_start3A_42 = arith.constant 0 : i32
    %dma_start3A_43 = arith.constant 0 : i32
    %dma_start3A_44 = tpu.memref_slice %arg4[%dma_start3A_42, %dma_start3A_43] : memref<1100000x16xf32, #tpu.memory_space<hbm>> -> memref<1100000x16xf32, #tpu.memory_space<hbm>>
    tpu.enqueue_indirect_dma source(%dma_start3A_44 : memref<1100000x16xf32, #tpu.memory_space<hbm>>) target(%dma_start3A_38 : memref<128x16xf32, #tpu.memory_space<vmem>>) offsets(%dma_start3A_41 : memref<128xi32, #tpu.memory_space<vmem>>) semaphore(%arg11 : memref<!tpu.dma_semaphore, #tpu.memory_space<semaphore_mem>>)
    %dma_start3A_45 = arith.constant 1 : i32
    %dma_start3A_46 = arith.constant 128 : i32
    %dma_start3A_47 = arith.constant 0 : i32
    %dma_start3A_48 = tpu.memref_slice %arg8[%dma_start3A_46, %dma_start3A_47] : memref<512x16xf32, #tpu.memory_space<vmem>> -> memref<128x16xf32, #tpu.memory_space<vmem>>
    %dma_start3A_49 = arith.constant 0 : i32
    %dma_start3A_50 = tpu.memref_slice %arg6[%dma_start3A_45, %dma_start3A_49] : memref<4x128xi32, #tpu.memory_space<vmem>> -> memref<1x128xi32, #tpu.memory_space<vmem>>
    %dma_start3A_51 = tpu.memref_squeeze %dma_start3A_50 : memref<1x128xi32, #tpu.memory_space<vmem>> -> memref<128xi32, #tpu.memory_space<vmem>>
    %dma_start3A_52 = arith.constant 0 : i32
    %dma_start3A_53 = arith.constant 0 : i32
    %dma_start3A_54 = tpu.memref_slice %arg4[%dma_start3A_52, %dma_start3A_53] : memref<1100000x16xf32, #tpu.memory_space<hbm>> -> memref<1100000x16xf32, #tpu.memory_space<hbm>>
    tpu.enqueue_indirect_dma source(%dma_start3A_54 : memref<1100000x16xf32, #tpu.memory_space<hbm>>) target(%dma_start3A_48 : memref<128x16xf32, #tpu.memory_space<vmem>>) offsets(%dma_start3A_51 : memref<128xi32, #tpu.memory_space<vmem>>) semaphore(%arg11 : memref<!tpu.dma_semaphore, #tpu.memory_space<semaphore_mem>>)
    %dma_start3A_55 = arith.constant 1 : i32
    %dma_start3A_56 = arith.constant 128 : i32
    %dma_start3A_57 = arith.constant 0 : i32
    %dma_start3A_58 = tpu.memref_slice %arg9[%dma_start3A_56, %dma_start3A_57] : memref<512x16xf32, #tpu.memory_space<vmem>> -> memref<128x16xf32, #tpu.memory_space<vmem>>
    %dma_start3A_59 = arith.constant 0 : i32
    %dma_start3A_60 = tpu.memref_slice %arg7[%dma_start3A_55, %dma_start3A_59] : memref<4x128xi32, #tpu.memory_space<vmem>> -> memref<1x128xi32, #tpu.memory_space<vmem>>
    %dma_start3A_61 = tpu.memref_squeeze %dma_start3A_60 : memref<1x128xi32, #tpu.memory_space<vmem>> -> memref<128xi32, #tpu.memory_space<vmem>>
    %dma_start3A_62 = arith.constant 0 : i32
    %dma_start3A_63 = arith.constant 0 : i32
    %dma_start3A_64 = tpu.memref_slice %arg4[%dma_start3A_62, %dma_start3A_63] : memref<1100000x16xf32, #tpu.memory_space<hbm>> -> memref<1100000x16xf32, #tpu.memory_space<hbm>>
    tpu.enqueue_indirect_dma source(%dma_start3A_64 : memref<1100000x16xf32, #tpu.memory_space<hbm>>) target(%dma_start3A_58 : memref<128x16xf32, #tpu.memory_space<vmem>>) offsets(%dma_start3A_61 : memref<128xi32, #tpu.memory_space<vmem>>) semaphore(%arg11 : memref<!tpu.dma_semaphore, #tpu.memory_space<semaphore_mem>>)
    %dma_start3A_65 = arith.constant 2 : i32
    %dma_start3A_66 = arith.constant 256 : i32
    %dma_start3A_67 = arith.constant 0 : i32
    %dma_start3A_68 = tpu.memref_slice %arg8[%dma_start3A_66, %dma_start3A_67] : memref<512x16xf32, #tpu.memory_space<vmem>> -> memref<128x16xf32, #tpu.memory_space<vmem>>
    %dma_start3A_69 = arith.constant 0 : i32
    %dma_start3A_70 = tpu.memref_slice %arg6[%dma_start3A_65, %dma_start3A_69] : memref<4x128xi32, #tpu.memory_space<vmem>> -> memref<1x128xi32, #tpu.memory_space<vmem>>
    %dma_start3A_71 = tpu.memref_squeeze %dma_start3A_70 : memref<1x128xi32, #tpu.memory_space<vmem>> -> memref<128xi32, #tpu.memory_space<vmem>>
    %dma_start3A_72 = arith.constant 0 : i32
    %dma_start3A_73 = arith.constant 0 : i32
    %dma_start3A_74 = tpu.memref_slice %arg4[%dma_start3A_72, %dma_start3A_73] : memref<1100000x16xf32, #tpu.memory_space<hbm>> -> memref<1100000x16xf32, #tpu.memory_space<hbm>>
    tpu.enqueue_indirect_dma source(%dma_start3A_74 : memref<1100000x16xf32, #tpu.memory_space<hbm>>) target(%dma_start3A_68 : memref<128x16xf32, #tpu.memory_space<vmem>>) offsets(%dma_start3A_71 : memref<128xi32, #tpu.memory_space<vmem>>) semaphore(%arg11 : memref<!tpu.dma_semaphore, #tpu.memory_space<semaphore_mem>>)
    %dma_start3A_75 = arith.constant 2 : i32
    %dma_start3A_76 = arith.constant 256 : i32
    %dma_start3A_77 = arith.constant 0 : i32
    %dma_start3A_78 = tpu.memref_slice %arg9[%dma_start3A_76, %dma_start3A_77] : memref<512x16xf32, #tpu.memory_space<vmem>> -> memref<128x16xf32, #tpu.memory_space<vmem>>
    %dma_start3A_79 = arith.constant 0 : i32
    %dma_start3A_80 = tpu.memref_slice %arg7[%dma_start3A_75, %dma_start3A_79] : memref<4x128xi32, #tpu.memory_space<vmem>> -> memref<1x128xi32, #tpu.memory_space<vmem>>
    %dma_start3A_81 = tpu.memref_squeeze %dma_start3A_80 : memref<1x128xi32, #tpu.memory_space<vmem>> -> memref<128xi32, #tpu.memory_space<vmem>>
    %dma_start3A_82 = arith.constant 0 : i32
    %dma_start3A_83 = arith.constant 0 : i32
    %dma_start3A_84 = tpu.memref_slice %arg4[%dma_start3A_82, %dma_start3A_83] : memref<1100000x16xf32, #tpu.memory_space<hbm>> -> memref<1100000x16xf32, #tpu.memory_space<hbm>>
    tpu.enqueue_indirect_dma source(%dma_start3A_84 : memref<1100000x16xf32, #tpu.memory_space<hbm>>) target(%dma_start3A_78 : memref<128x16xf32, #tpu.memory_space<vmem>>) offsets(%dma_start3A_81 : memref<128xi32, #tpu.memory_space<vmem>>) semaphore(%arg11 : memref<!tpu.dma_semaphore, #tpu.memory_space<semaphore_mem>>)
    %dma_start3A_85 = arith.constant 3 : i32
    %dma_start3A_86 = arith.constant 384 : i32
    %dma_start3A_87 = arith.constant 0 : i32
    %dma_start3A_88 = tpu.memref_slice %arg8[%dma_start3A_86, %dma_start3A_87] : memref<512x16xf32, #tpu.memory_space<vmem>> -> memref<128x16xf32, #tpu.memory_space<vmem>>
    %dma_start3A_89 = arith.constant 0 : i32
    %dma_start3A_90 = tpu.memref_slice %arg6[%dma_start3A_85, %dma_start3A_89] : memref<4x128xi32, #tpu.memory_space<vmem>> -> memref<1x128xi32, #tpu.memory_space<vmem>>
    %dma_start3A_91 = tpu.memref_squeeze %dma_start3A_90 : memref<1x128xi32, #tpu.memory_space<vmem>> -> memref<128xi32, #tpu.memory_space<vmem>>
    %dma_start3A_92 = arith.constant 0 : i32
    %dma_start3A_93 = arith.constant 0 : i32
    %dma_start3A_94 = tpu.memref_slice %arg4[%dma_start3A_92, %dma_start3A_93] : memref<1100000x16xf32, #tpu.memory_space<hbm>> -> memref<1100000x16xf32, #tpu.memory_space<hbm>>
    tpu.enqueue_indirect_dma source(%dma_start3A_94 : memref<1100000x16xf32, #tpu.memory_space<hbm>>) target(%dma_start3A_88 : memref<128x16xf32, #tpu.memory_space<vmem>>) offsets(%dma_start3A_91 : memref<128xi32, #tpu.memory_space<vmem>>) semaphore(%arg11 : memref<!tpu.dma_semaphore, #tpu.memory_space<semaphore_mem>>)
    %dma_start3A_95 = arith.constant 3 : i32
    %dma_start3A_96 = arith.constant 384 : i32
    %dma_start3A_97 = arith.constant 0 : i32
    %dma_start3A_98 = tpu.memref_slice %arg9[%dma_start3A_96, %dma_start3A_97] : memref<512x16xf32, #tpu.memory_space<vmem>> -> memref<128x16xf32, #tpu.memory_space<vmem>>
    %dma_start3A_99 = arith.constant 0 : i32
    %dma_start3A_100 = tpu.memref_slice %arg7[%dma_start3A_95, %dma_start3A_99] : memref<4x128xi32, #tpu.memory_space<vmem>> -> memref<1x128xi32, #tpu.memory_space<vmem>>
    %dma_start3A_101 = tpu.memref_squeeze %dma_start3A_100 : memref<1x128xi32, #tpu.memory_space<vmem>> -> memref<128xi32, #tpu.memory_space<vmem>>
    %dma_start3A_102 = arith.constant 0 : i32
    %dma_start3A_103 = arith.constant 0 : i32
    %dma_start3A_104 = tpu.memref_slice %arg4[%dma_start3A_102, %dma_start3A_103] : memref<1100000x16xf32, #tpu.memory_space<hbm>> -> memref<1100000x16xf32, #tpu.memory_space<hbm>>
    tpu.enqueue_indirect_dma source(%dma_start3A_104 : memref<1100000x16xf32, #tpu.memory_space<hbm>>) target(%dma_start3A_98 : memref<128x16xf32, #tpu.memory_space<vmem>>) offsets(%dma_start3A_101 : memref<128xi32, #tpu.memory_space<vmem>>) semaphore(%arg11 : memref<!tpu.dma_semaphore, #tpu.memory_space<semaphore_mem>>)
    %dma_wait3A = arith.constant 0 : i32
    %dma_wait3A_105 = arith.constant 0 : i32
    %dma_wait3A_106 = arith.constant 0 : i32
    %dma_wait3A_107 = tpu.memref_slice %arg8[%dma_wait3A_105, %dma_wait3A_106] : memref<512x16xf32, #tpu.memory_space<vmem>> -> memref<128x16xf32, #tpu.memory_space<vmem>>
    %dma_wait3A_108 = arith.constant 0 : i32
    %dma_wait3A_109 = tpu.memref_slice %arg6[%dma_wait3A, %dma_wait3A_108] : memref<4x128xi32, #tpu.memory_space<vmem>> -> memref<1x128xi32, #tpu.memory_space<vmem>>
    %dma_wait3A_110 = tpu.memref_squeeze %dma_wait3A_109 : memref<1x128xi32, #tpu.memory_space<vmem>> -> memref<128xi32, #tpu.memory_space<vmem>>
    %dma_wait3A_111 = arith.constant 0 : i32
    %dma_wait3A_112 = arith.constant 0 : i32
    %dma_wait3A_113 = tpu.memref_slice %arg4[%dma_wait3A_111, %dma_wait3A_112] : memref<1100000x16xf32, #tpu.memory_space<hbm>> -> memref<1100000x16xf32, #tpu.memory_space<hbm>>
    tpu.wait_indirect_dma semaphore(%arg11 : memref<!tpu.dma_semaphore, #tpu.memory_space<semaphore_mem>>) src(%dma_wait3A_113 : memref<1100000x16xf32, #tpu.memory_space<hbm>>) dst(%dma_wait3A_107 : memref<128x16xf32, #tpu.memory_space<vmem>>)
    %dma_wait3A_114 = arith.constant 0 : i32
    %dma_wait3A_115 = arith.constant 0 : i32
    %dma_wait3A_116 = arith.constant 0 : i32
    %dma_wait3A_117 = tpu.memref_slice %arg9[%dma_wait3A_115, %dma_wait3A_116] : memref<512x16xf32, #tpu.memory_space<vmem>> -> memref<128x16xf32, #tpu.memory_space<vmem>>
    %dma_wait3A_118 = arith.constant 0 : i32
    %dma_wait3A_119 = tpu.memref_slice %arg7[%dma_wait3A_114, %dma_wait3A_118] : memref<4x128xi32, #tpu.memory_space<vmem>> -> memref<1x128xi32, #tpu.memory_space<vmem>>
    %dma_wait3A_120 = tpu.memref_squeeze %dma_wait3A_119 : memref<1x128xi32, #tpu.memory_space<vmem>> -> memref<128xi32, #tpu.memory_space<vmem>>
    %dma_wait3A_121 = arith.constant 0 : i32
    %dma_wait3A_122 = arith.constant 0 : i32
    %dma_wait3A_123 = tpu.memref_slice %arg4[%dma_wait3A_121, %dma_wait3A_122] : memref<1100000x16xf32, #tpu.memory_space<hbm>> -> memref<1100000x16xf32, #tpu.memory_space<hbm>>
    tpu.wait_indirect_dma semaphore(%arg11 : memref<!tpu.dma_semaphore, #tpu.memory_space<semaphore_mem>>) src(%dma_wait3A_123 : memref<1100000x16xf32, #tpu.memory_space<hbm>>) dst(%dma_wait3A_117 : memref<128x16xf32, #tpu.memory_space<vmem>>)
    %dma_wait3A_124 = arith.constant 1 : i32
    %dma_wait3A_125 = arith.constant 128 : i32
    %dma_wait3A_126 = arith.constant 0 : i32
    %dma_wait3A_127 = tpu.memref_slice %arg8[%dma_wait3A_125, %dma_wait3A_126] : memref<512x16xf32, #tpu.memory_space<vmem>> -> memref<128x16xf32, #tpu.memory_space<vmem>>
    %dma_wait3A_128 = arith.constant 0 : i32
    %dma_wait3A_129 = tpu.memref_slice %arg6[%dma_wait3A_124, %dma_wait3A_128] : memref<4x128xi32, #tpu.memory_space<vmem>> -> memref<1x128xi32, #tpu.memory_space<vmem>>
    %dma_wait3A_130 = tpu.memref_squeeze %dma_wait3A_129 : memref<1x128xi32, #tpu.memory_space<vmem>> -> memref<128xi32, #tpu.memory_space<vmem>>
    %dma_wait3A_131 = arith.constant 0 : i32
    %dma_wait3A_132 = arith.constant 0 : i32
    %dma_wait3A_133 = tpu.memref_slice %arg4[%dma_wait3A_131, %dma_wait3A_132] : memref<1100000x16xf32, #tpu.memory_space<hbm>> -> memref<1100000x16xf32, #tpu.memory_space<hbm>>
    tpu.wait_indirect_dma semaphore(%arg11 : memref<!tpu.dma_semaphore, #tpu.memory_space<semaphore_mem>>) src(%dma_wait3A_133 : memref<1100000x16xf32, #tpu.memory_space<hbm>>) dst(%dma_wait3A_127 : memref<128x16xf32, #tpu.memory_space<vmem>>)
    %dma_wait3A_134 = arith.constant 1 : i32
    %dma_wait3A_135 = arith.constant 128 : i32
    %dma_wait3A_136 = arith.constant 0 : i32
    %dma_wait3A_137 = tpu.memref_slice %arg9[%dma_wait3A_135, %dma_wait3A_136] : memref<512x16xf32, #tpu.memory_space<vmem>> -> memref<128x16xf32, #tpu.memory_space<vmem>>
    %dma_wait3A_138 = arith.constant 0 : i32
    %dma_wait3A_139 = tpu.memref_slice %arg7[%dma_wait3A_134, %dma_wait3A_138] : memref<4x128xi32, #tpu.memory_space<vmem>> -> memref<1x128xi32, #tpu.memory_space<vmem>>
    %dma_wait3A_140 = tpu.memref_squeeze %dma_wait3A_139 : memref<1x128xi32, #tpu.memory_space<vmem>> -> memref<128xi32, #tpu.memory_space<vmem>>
    %dma_wait3A_141 = arith.constant 0 : i32
    %dma_wait3A_142 = arith.constant 0 : i32
    %dma_wait3A_143 = tpu.memref_slice %arg4[%dma_wait3A_141, %dma_wait3A_142] : memref<1100000x16xf32, #tpu.memory_space<hbm>> -> memref<1100000x16xf32, #tpu.memory_space<hbm>>
    tpu.wait_indirect_dma semaphore(%arg11 : memref<!tpu.dma_semaphore, #tpu.memory_space<semaphore_mem>>) src(%dma_wait3A_143 : memref<1100000x16xf32, #tpu.memory_space<hbm>>) dst(%dma_wait3A_137 : memref<128x16xf32, #tpu.memory_space<vmem>>)
    %dma_wait3A_144 = arith.constant 2 : i32
    %dma_wait3A_145 = arith.constant 256 : i32
    %dma_wait3A_146 = arith.constant 0 : i32
    %dma_wait3A_147 = tpu.memref_slice %arg8[%dma_wait3A_145, %dma_wait3A_146] : memref<512x16xf32, #tpu.memory_space<vmem>> -> memref<128x16xf32, #tpu.memory_space<vmem>>
    %dma_wait3A_148 = arith.constant 0 : i32
    %dma_wait3A_149 = tpu.memref_slice %arg6[%dma_wait3A_144, %dma_wait3A_148] : memref<4x128xi32, #tpu.memory_space<vmem>> -> memref<1x128xi32, #tpu.memory_space<vmem>>
    %dma_wait3A_150 = tpu.memref_squeeze %dma_wait3A_149 : memref<1x128xi32, #tpu.memory_space<vmem>> -> memref<128xi32, #tpu.memory_space<vmem>>
    %dma_wait3A_151 = arith.constant 0 : i32
    %dma_wait3A_152 = arith.constant 0 : i32
    %dma_wait3A_153 = tpu.memref_slice %arg4[%dma_wait3A_151, %dma_wait3A_152] : memref<1100000x16xf32, #tpu.memory_space<hbm>> -> memref<1100000x16xf32, #tpu.memory_space<hbm>>
    tpu.wait_indirect_dma semaphore(%arg11 : memref<!tpu.dma_semaphore, #tpu.memory_space<semaphore_mem>>) src(%dma_wait3A_153 : memref<1100000x16xf32, #tpu.memory_space<hbm>>) dst(%dma_wait3A_147 : memref<128x16xf32, #tpu.memory_space<vmem>>)
    %dma_wait3A_154 = arith.constant 2 : i32
    %dma_wait3A_155 = arith.constant 256 : i32
    %dma_wait3A_156 = arith.constant 0 : i32
    %dma_wait3A_157 = tpu.memref_slice %arg9[%dma_wait3A_155, %dma_wait3A_156] : memref<512x16xf32, #tpu.memory_space<vmem>> -> memref<128x16xf32, #tpu.memory_space<vmem>>
    %dma_wait3A_158 = arith.constant 0 : i32
    %dma_wait3A_159 = tpu.memref_slice %arg7[%dma_wait3A_154, %dma_wait3A_158] : memref<4x128xi32, #tpu.memory_space<vmem>> -> memref<1x128xi32, #tpu.memory_space<vmem>>
    %dma_wait3A_160 = tpu.memref_squeeze %dma_wait3A_159 : memref<1x128xi32, #tpu.memory_space<vmem>> -> memref<128xi32, #tpu.memory_space<vmem>>
    %dma_wait3A_161 = arith.constant 0 : i32
    %dma_wait3A_162 = arith.constant 0 : i32
    %dma_wait3A_163 = tpu.memref_slice %arg4[%dma_wait3A_161, %dma_wait3A_162] : memref<1100000x16xf32, #tpu.memory_space<hbm>> -> memref<1100000x16xf32, #tpu.memory_space<hbm>>
    tpu.wait_indirect_dma semaphore(%arg11 : memref<!tpu.dma_semaphore, #tpu.memory_space<semaphore_mem>>) src(%dma_wait3A_163 : memref<1100000x16xf32, #tpu.memory_space<hbm>>) dst(%dma_wait3A_157 : memref<128x16xf32, #tpu.memory_space<vmem>>)
    %dma_wait3A_164 = arith.constant 3 : i32
    %dma_wait3A_165 = arith.constant 384 : i32
    %dma_wait3A_166 = arith.constant 0 : i32
    %dma_wait3A_167 = tpu.memref_slice %arg8[%dma_wait3A_165, %dma_wait3A_166] : memref<512x16xf32, #tpu.memory_space<vmem>> -> memref<128x16xf32, #tpu.memory_space<vmem>>
    %dma_wait3A_168 = arith.constant 0 : i32
    %dma_wait3A_169 = tpu.memref_slice %arg6[%dma_wait3A_164, %dma_wait3A_168] : memref<4x128xi32, #tpu.memory_space<vmem>> -> memref<1x128xi32, #tpu.memory_space<vmem>>
    %dma_wait3A_170 = tpu.memref_squeeze %dma_wait3A_169 : memref<1x128xi32, #tpu.memory_space<vmem>> -> memref<128xi32, #tpu.memory_space<vmem>>
    %dma_wait3A_171 = arith.constant 0 : i32
    %dma_wait3A_172 = arith.constant 0 : i32
    %dma_wait3A_173 = tpu.memref_slice %arg4[%dma_wait3A_171, %dma_wait3A_172] : memref<1100000x16xf32, #tpu.memory_space<hbm>> -> memref<1100000x16xf32, #tpu.memory_space<hbm>>
    tpu.wait_indirect_dma semaphore(%arg11 : memref<!tpu.dma_semaphore, #tpu.memory_space<semaphore_mem>>) src(%dma_wait3A_173 : memref<1100000x16xf32, #tpu.memory_space<hbm>>) dst(%dma_wait3A_167 : memref<128x16xf32, #tpu.memory_space<vmem>>)
    %dma_wait3A_174 = arith.constant 3 : i32
    %dma_wait3A_175 = arith.constant 384 : i32
    %dma_wait3A_176 = arith.constant 0 : i32
    %dma_wait3A_177 = tpu.memref_slice %arg9[%dma_wait3A_175, %dma_wait3A_176] : memref<512x16xf32, #tpu.memory_space<vmem>> -> memref<128x16xf32, #tpu.memory_space<vmem>>
    %dma_wait3A_178 = arith.constant 0 : i32
    %dma_wait3A_179 = tpu.memref_slice %arg7[%dma_wait3A_174, %dma_wait3A_178] : memref<4x128xi32, #tpu.memory_space<vmem>> -> memref<1x128xi32, #tpu.memory_space<vmem>>
    %dma_wait3A_180 = tpu.memref_squeeze %dma_wait3A_179 : memref<1x128xi32, #tpu.memory_space<vmem>> -> memref<128xi32, #tpu.memory_space<vmem>>
    %dma_wait3A_181 = arith.constant 0 : i32
    %dma_wait3A_182 = arith.constant 0 : i32
    %dma_wait3A_183 = tpu.memref_slice %arg4[%dma_wait3A_181, %dma_wait3A_182] : memref<1100000x16xf32, #tpu.memory_space<hbm>> -> memref<1100000x16xf32, #tpu.memory_space<hbm>>
    tpu.wait_indirect_dma semaphore(%arg11 : memref<!tpu.dma_semaphore, #tpu.memory_space<semaphore_mem>>) src(%dma_wait3A_183 : memref<1100000x16xf32, #tpu.memory_space<hbm>>) dst(%dma_wait3A_177 : memref<128x16xf32, #tpu.memory_space<vmem>>)
    %iota3A = tpu.iota {dimensions = array<i32: 0>} : vector<16xi32>
    %scan3A = arith.constant 0 : i32
    %scan3A_184 = arith.constant 0 : i32
    %scan3A_185 = arith.constant 32 : i32
    %scan3A_186 = arith.addi %scan3A_184, %scan3A_185 : i32
    %scan3A_187 = arith.constant 1 : i32
    scf.for %scan3A_189 = %scan3A_184 to %scan3A_186 step %scan3A_187  : i32 {
      %mul3A_190 = arith.constant 16 : i32
      %mul3A_191 = arith.muli %scan3A_189, %mul3A_190 : i32
      %add3A_192 = vector.broadcast %mul3A_191 : i32 to vector<16xi32>
      %add3A_193 = arith.addi %iota3A, %add3A_192 : vector<16xi32>
      %broadcast_in_dim3A = arith.constant 0.000000e+00 : f32
      %broadcast_in_dim3A_194 = vector.broadcast %broadcast_in_dim3A : f32 to vector<16xf32>
      %broadcast_in_dim3A_195 = arith.constant 0 : i32
      %broadcast_in_dim3A_196 = vector.broadcast %broadcast_in_dim3A_195 : i32 to vector<16xi32>
      %gather3A = tpu.vector_load_idx %arg8[%add3A_193, %broadcast_in_dim3A_196] : memref<512x16xf32, #tpu.memory_space<vmem>>[vector<16xi32>, vector<16xi32>], vector<16xf32>,
      %gather3A_197 = tpu.vector_load_idx %arg9[%add3A_193, %broadcast_in_dim3A_196] : memref<512x16xf32, #tpu.memory_space<vmem>>[vector<16xi32>, vector<16xi32>], vector<16xf32>,
      %mul3A_198 = arith.mulf %gather3A, %gather3A_197 : vector<16xf32>
      %add3A_199 = arith.addf %broadcast_in_dim3A_194, %mul3A_198 : vector<16xf32>
      %broadcast_in_dim3A_200 = arith.constant 1 : i32
      %broadcast_in_dim3A_201 = vector.broadcast %broadcast_in_dim3A_200 : i32 to vector<16xi32>
      %gather3A_202 = tpu.vector_load_idx %arg8[%add3A_193, %broadcast_in_dim3A_201] : memref<512x16xf32, #tpu.memory_space<vmem>>[vector<16xi32>, vector<16xi32>], vector<16xf32>,
      %gather3A_203 = tpu.vector_load_idx %arg9[%add3A_193, %broadcast_in_dim3A_201] : memref<512x16xf32, #tpu.memory_space<vmem>>[vector<16xi32>, vector<16xi32>], vector<16xf32>,
      %mul3A_204 = arith.mulf %gather3A_202, %gather3A_203 : vector<16xf32>
      %add3A_205 = arith.addf %add3A_199, %mul3A_204 : vector<16xf32>
      %broadcast_in_dim3A_206 = arith.constant 2 : i32
      %broadcast_in_dim3A_207 = vector.broadcast %broadcast_in_dim3A_206 : i32 to vector<16xi32>
      %gather3A_208 = tpu.vector_load_idx %arg8[%add3A_193, %broadcast_in_dim3A_207] : memref<512x16xf32, #tpu.memory_space<vmem>>[vector<16xi32>, vector<16xi32>], vector<16xf32>,
      %gather3A_209 = tpu.vector_load_idx %arg9[%add3A_193, %broadcast_in_dim3A_207] : memref<512x16xf32, #tpu.memory_space<vmem>>[vector<16xi32>, vector<16xi32>], vector<16xf32>,
      %mul3A_210 = arith.mulf %gather3A_208, %gather3A_209 : vector<16xf32>
      %add3A_211 = arith.addf %add3A_205, %mul3A_210 : vector<16xf32>
      %broadcast_in_dim3A_212 = arith.constant 3 : i32
      %broadcast_in_dim3A_213 = vector.broadcast %broadcast_in_dim3A_212 : i32 to vector<16xi32>
      %gather3A_214 = tpu.vector_load_idx %arg8[%add3A_193, %broadcast_in_dim3A_213] : memref<512x16xf32, #tpu.memory_space<vmem>>[vector<16xi32>, vector<16xi32>], vector<16xf32>,
      %gather3A_215 = tpu.vector_load_idx %arg9[%add3A_193, %broadcast_in_dim3A_213] : memref<512x16xf32, #tpu.memory_space<vmem>>[vector<16xi32>, vector<16xi32>], vector<16xf32>,
      %mul3A_216 = arith.mulf %gather3A_214, %gather3A_215 : vector<16xf32>
      %add3A_217 = arith.addf %add3A_211, %mul3A_216 : vector<16xf32>
      %broadcast_in_dim3A_218 = arith.constant 4 : i32
      %broadcast_in_dim3A_219 = vector.broadcast %broadcast_in_dim3A_218 : i32 to vector<16xi32>
      %gather3A_220 = tpu.vector_load_idx %arg8[%add3A_193, %broadcast_in_dim3A_219] : memref<512x16xf32, #tpu.memory_space<vmem>>[vector<16xi32>, vector<16xi32>], vector<16xf32>,
      %gather3A_221 = tpu.vector_load_idx %arg9[%add3A_193, %broadcast_in_dim3A_219] : memref<512x16xf32, #tpu.memory_space<vmem>>[vector<16xi32>, vector<16xi32>], vector<16xf32>,
      %mul3A_222 = arith.mulf %gather3A_220, %gather3A_221 : vector<16xf32>
      %add3A_223 = arith.addf %add3A_217, %mul3A_222 : vector<16xf32>
      %broadcast_in_dim3A_224 = arith.constant 5 : i32
      %broadcast_in_dim3A_225 = vector.broadcast %broadcast_in_dim3A_224 : i32 to vector<16xi32>
      %gather3A_226 = tpu.vector_load_idx %arg8[%add3A_193, %broadcast_in_dim3A_225] : memref<512x16xf32, #tpu.memory_space<vmem>>[vector<16xi32>, vector<16xi32>], vector<16xf32>,
      %gather3A_227 = tpu.vector_load_idx %arg9[%add3A_193, %broadcast_in_dim3A_225] : memref<512x16xf32, #tpu.memory_space<vmem>>[vector<16xi32>, vector<16xi32>], vector<16xf32>,
      %mul3A_228 = arith.mulf %gather3A_226, %gather3A_227 : vector<16xf32>
      %add3A_229 = arith.addf %add3A_223, %mul3A_228 : vector<16xf32>
      %broadcast_in_dim3A_230 = arith.constant 6 : i32
      %broadcast_in_dim3A_231 = vector.broadcast %broadcast_in_dim3A_230 : i32 to vector<16xi32>
      %gather3A_232 = tpu.vector_load_idx %arg8[%add3A_193, %broadcast_in_dim3A_231] : memref<512x16xf32, #tpu.memory_space<vmem>>[vector<16xi32>, vector<16xi32>], vector<16xf32>,
      %gather3A_233 = tpu.vector_load_idx %arg9[%add3A_193, %broadcast_in_dim3A_231] : memref<512x16xf32, #tpu.memory_space<vmem>>[vector<16xi32>, vector<16xi32>], vector<16xf32>,
      %mul3A_234 = arith.mulf %gather3A_232, %gather3A_233 : vector<16xf32>
      %add3A_235 = arith.addf %add3A_229, %mul3A_234 : vector<16xf32>
      %broadcast_in_dim3A_236 = arith.constant 7 : i32
      %broadcast_in_dim3A_237 = vector.broadcast %broadcast_in_dim3A_236 : i32 to vector<16xi32>
      %gather3A_238 = tpu.vector_load_idx %arg8[%add3A_193, %broadcast_in_dim3A_237] : memref<512x16xf32, #tpu.memory_space<vmem>>[vector<16xi32>, vector<16xi32>], vector<16xf32>,
      %gather3A_239 = tpu.vector_load_idx %arg9[%add3A_193, %broadcast_in_dim3A_237] : memref<512x16xf32, #tpu.memory_space<vmem>>[vector<16xi32>, vector<16xi32>], vector<16xf32>,
      %mul3A_240 = arith.mulf %gather3A_238, %gather3A_239 : vector<16xf32>
      %add3A_241 = arith.addf %add3A_235, %mul3A_240 : vector<16xf32>
      %broadcast_in_dim3A_242 = arith.constant 8 : i32
      %broadcast_in_dim3A_243 = vector.broadcast %broadcast_in_dim3A_242 : i32 to vector<16xi32>
      %gather3A_244 = tpu.vector_load_idx %arg8[%add3A_193, %broadcast_in_dim3A_243] : memref<512x16xf32, #tpu.memory_space<vmem>>[vector<16xi32>, vector<16xi32>], vector<16xf32>,
      %gather3A_245 = tpu.vector_load_idx %arg9[%add3A_193, %broadcast_in_dim3A_243] : memref<512x16xf32, #tpu.memory_space<vmem>>[vector<16xi32>, vector<16xi32>], vector<16xf32>,
      %mul3A_246 = arith.mulf %gather3A_244, %gather3A_245 : vector<16xf32>
      %add3A_247 = arith.addf %add3A_241, %mul3A_246 : vector<16xf32>
      %broadcast_in_dim3A_248 = arith.constant 9 : i32
      %broadcast_in_dim3A_249 = vector.broadcast %broadcast_in_dim3A_248 : i32 to vector<16xi32>
      %gather3A_250 = tpu.vector_load_idx %arg8[%add3A_193, %broadcast_in_dim3A_249] : memref<512x16xf32, #tpu.memory_space<vmem>>[vector<16xi32>, vector<16xi32>], vector<16xf32>,
      %gather3A_251 = tpu.vector_load_idx %arg9[%add3A_193, %broadcast_in_dim3A_249] : memref<512x16xf32, #tpu.memory_space<vmem>>[vector<16xi32>, vector<16xi32>], vector<16xf32>,
      %mul3A_252 = arith.mulf %gather3A_250, %gather3A_251 : vector<16xf32>
      %add3A_253 = arith.addf %add3A_247, %mul3A_252 : vector<16xf32>
      %broadcast_in_dim3A_254 = arith.constant 10 : i32
      %broadcast_in_dim3A_255 = vector.broadcast %broadcast_in_dim3A_254 : i32 to vector<16xi32>
      %gather3A_256 = tpu.vector_load_idx %arg8[%add3A_193, %broadcast_in_dim3A_255] : memref<512x16xf32, #tpu.memory_space<vmem>>[vector<16xi32>, vector<16xi32>], vector<16xf32>,
      %gather3A_257 = tpu.vector_load_idx %arg9[%add3A_193, %broadcast_in_dim3A_255] : memref<512x16xf32, #tpu.memory_space<vmem>>[vector<16xi32>, vector<16xi32>], vector<16xf32>,
      %mul3A_258 = arith.mulf %gather3A_256, %gather3A_257 : vector<16xf32>
      %add3A_259 = arith.addf %add3A_253, %mul3A_258 : vector<16xf32>
      %broadcast_in_dim3A_260 = arith.constant 11 : i32
      %broadcast_in_dim3A_261 = vector.broadcast %broadcast_in_dim3A_260 : i32 to vector<16xi32>
      %gather3A_262 = tpu.vector_load_idx %arg8[%add3A_193, %broadcast_in_dim3A_261] : memref<512x16xf32, #tpu.memory_space<vmem>>[vector<16xi32>, vector<16xi32>], vector<16xf32>,
      %gather3A_263 = tpu.vector_load_idx %arg9[%add3A_193, %broadcast_in_dim3A_261] : memref<512x16xf32, #tpu.memory_space<vmem>>[vector<16xi32>, vector<16xi32>], vector<16xf32>,
      %mul3A_264 = arith.mulf %gather3A_262, %gather3A_263 : vector<16xf32>
      %add3A_265 = arith.addf %add3A_259, %mul3A_264 : vector<16xf32>
      %broadcast_in_dim3A_266 = arith.constant 12 : i32
      %broadcast_in_dim3A_267 = vector.broadcast %broadcast_in_dim3A_266 : i32 to vector<16xi32>
      %gather3A_268 = tpu.vector_load_idx %arg8[%add3A_193, %broadcast_in_dim3A_267] : memref<512x16xf32, #tpu.memory_space<vmem>>[vector<16xi32>, vector<16xi32>], vector<16xf32>,
      %gather3A_269 = tpu.vector_load_idx %arg9[%add3A_193, %broadcast_in_dim3A_267] : memref<512x16xf32, #tpu.memory_space<vmem>>[vector<16xi32>, vector<16xi32>], vector<16xf32>,
      %mul3A_270 = arith.mulf %gather3A_268, %gather3A_269 : vector<16xf32>
      %add3A_271 = arith.addf %add3A_265, %mul3A_270 : vector<16xf32>
      %broadcast_in_dim3A_272 = arith.constant 13 : i32
      %broadcast_in_dim3A_273 = vector.broadcast %broadcast_in_dim3A_272 : i32 to vector<16xi32>
      %gather3A_274 = tpu.vector_load_idx %arg8[%add3A_193, %broadcast_in_dim3A_273] : memref<512x16xf32, #tpu.memory_space<vmem>>[vector<16xi32>, vector<16xi32>], vector<16xf32>,
      %gather3A_275 = tpu.vector_load_idx %arg9[%add3A_193, %broadcast_in_dim3A_273] : memref<512x16xf32, #tpu.memory_space<vmem>>[vector<16xi32>, vector<16xi32>], vector<16xf32>,
      %mul3A_276 = arith.mulf %gather3A_274, %gather3A_275 : vector<16xf32>
      %add3A_277 = arith.addf %add3A_271, %mul3A_276 : vector<16xf32>
      %broadcast_in_dim3A_278 = arith.constant 14 : i32
      %broadcast_in_dim3A_279 = vector.broadcast %broadcast_in_dim3A_278 : i32 to vector<16xi32>
      %gather3A_280 = tpu.vector_load_idx %arg8[%add3A_193, %broadcast_in_dim3A_279] : memref<512x16xf32, #tpu.memory_space<vmem>>[vector<16xi32>, vector<16xi32>], vector<16xf32>,
      %gather3A_281 = tpu.vector_load_idx %arg9[%add3A_193, %broadcast_in_dim3A_279] : memref<512x16xf32, #tpu.memory_space<vmem>>[vector<16xi32>, vector<16xi32>], vector<16xf32>,
      %mul3A_282 = arith.mulf %gather3A_280, %gather3A_281 : vector<16xf32>
      %add3A_283 = arith.addf %add3A_277, %mul3A_282 : vector<16xf32>
      %broadcast_in_dim3A_284 = arith.constant 15 : i32
      %broadcast_in_dim3A_285 = vector.broadcast %broadcast_in_dim3A_284 : i32 to vector<16xi32>
      %gather3A_286 = tpu.vector_load_idx %arg8[%add3A_193, %broadcast_in_dim3A_285] : memref<512x16xf32, #tpu.memory_space<vmem>>[vector<16xi32>, vector<16xi32>], vector<16xf32>,
      %gather3A_287 = tpu.vector_load_idx %arg9[%add3A_193, %broadcast_in_dim3A_285] : memref<512x16xf32, #tpu.memory_space<vmem>>[vector<16xi32>, vector<16xi32>], vector<16xf32>,
      %mul3A_288 = arith.mulf %gather3A_286, %gather3A_287 : vector<16xf32>
      %add3A_289 = arith.addf %add3A_283, %mul3A_288 : vector<16xf32>
      tpu.vector_store_idx %arg10[%add3A_193], %add3A_289 : memref<512xf32, #tpu.memory_space<vmem>>[vector<16xi32>], vector<16xf32>,
    }
    %scan3A_188 = arith.constant 32 : i32
    "tpu.region"() ({
      %run_scoped3A_189 = tpu.sem_alloc : memref<!tpu.dma_semaphore, #tpu.memory_space<semaphore_mem>>
      %dma_start3A_190 = tpu.memref_slice %arg5[%mul3A_2] : memref<16384xf32, #tpu.memory_space<hbm>> -> memref<512xf32, #tpu.memory_space<hbm>>
      %dma_start3A_191 = tpu.memref_slice %arg5[%mul3A_2] : memref<16384xf32, #tpu.memory_space<hbm>> -> memref<512xf32, #tpu.memory_space<hbm>>
      tpu.enqueue_dma source(%arg10 : memref<512xf32, #tpu.memory_space<vmem>>) target(%dma_start3A_191 : memref<512xf32, #tpu.memory_space<hbm>>) target_semaphore(%run_scoped3A_189 : memref<!tpu.dma_semaphore, #tpu.memory_space<semaphore_mem>>)
      %dma_wait3A_192 = tpu.memref_slice %arg5[%mul3A_2] : memref<16384xf32, #tpu.memory_space<hbm>> -> memref<512xf32, #tpu.memory_space<hbm>>
      %dma_wait3A_193 = tpu.memref_slice %arg5[%mul3A_2] : memref<16384xf32, #tpu.memory_space<hbm>> -> memref<512xf32, #tpu.memory_space<hbm>>
      tpu.wait_dma2 semaphore(%run_scoped3A_189 : memref<!tpu.dma_semaphore, #tpu.memory_space<semaphore_mem>>) src(%arg10 : memref<512xf32, #tpu.memory_space<vmem>>) dst(%dma_wait3A_193 : memref<512xf32, #tpu.memory_space<hbm>>)
      tpu.yield
    }) : () -> ()
    return
  }
}

</mosaic_0001>

<sc_bundles>
// kernel: kernel.3.cloned.1.call-start
scs
__scs_entry_jumppad:
0x0: {  	(pc) =	sbr.rel $0x88, $3  }
0x1: {  	(tag) =	ssettag $0x0;
	lr =	simm.s32 $0x1  }
0x2: {  	[smem:$0x3F9D] =	sst lr;
	_ =	strace $0xD0000000  }
0x3: {  	_ = 	snop  }
0x4: {  	_ = 	snop  }
0x5: {  	_ = 	snop  }
0x6: {  	_ = 	snop  }
0x7: {  	_ = 	snop  }
__scs_overlays_trampoline_lowered:
0x8: {  	[smem:$0x3FAC] =	sst s0  }
0x9: {  	[smem:$0x3FAD] =	sst s1  }
0xa: {  	[smem:$0x3FAE] =	sst s2  }
0xb: {  	[smem:$0x3FAF] =	sst s3  }
0xc: {  	[smem:$0x3FB0] =	sst s4  }
0xd: {  	[smem:$0x3FB1] =	sst s5  }
0xe: {  	[smem:$0x3FB2] =	sst s6  }
0xf: {  	[smem:$0x3FB3] =	sst s7  }
0x10: {  	[smem:$0x3FB4] =	sst s8  }
0x11: {  	[smem:$0x3FB5] =	sst s9;
	s0 =	simm.s32 @!p0 $0x0  }
0x12: {  	s1 =	sld [smem:$0x3F9B];
	s0 =	simm.s32 @p0 $0x1  }
0x13: {  	[smem:$0x3FB6] =	sst s0;
	s0 =	simm.s32 @!p1 $0x0  }
0x14: {  	s2 =	sld [smem:$0x3F9A];
	s0 =	simm.s32 @p1 $0x1  }
0x15: {  	[smem:$0x3FB7] =	sst s0;
	s0 =	simm.s32 @!p2 $0x0  }
0x16: {  	s3 =	sld [smem:$0x3FDB];
	s0 =	simm.s32 @p2 $0x1  }
0x17: {  	s4 =	simm.s32 $0x1BF5;
	[smem:$0x3FB9] =	sst s0  }
0x18: {  	s0 =	sld [smem:$0x3F9C];
	_ =	swait.ge [sflag:s4], $0x0  }
0x19: {  	s7 =	sld [smem:$0x3F9D]  }
0x1a: {  	s8 =	sadd.s32 $0xFFFFE003, lr  }
0x1b: {  	s9 =	sadd.s32 $0xFFFFFEF7, lr;
	s5 =	simm.s32 $0xFFFFFFFF;
	p2 =	slt.u32 s8, $0xFFFFF086  }
0x1c: {  	p1 =	slt.u32 s9, $0xF7A;
	s5 =	simm.s32 @!p2 $0x0  }
0x1d: {  	s5 =	simm.s32 @p1 $0x1;
	p0 =	seq.s32 s7, s2  }
0x1e: {  	s7 =	smul.u32 @!p0 $0xF7A, s2;
	p2 =	seq.s32 @!p0 s5, $0x0  }
0x1f: {  	s9 =	smul.u32 $0xF7A, s1;
	s8 =	simm.s32 @!p0 $0x1BF5;
	p2 =	por !p2, p0  }
0x20: {  	[sflag:s8] =	ssyncset.s32 @!p0 $0xFFFFF086;
	s6 =	sadd.s32 @!p0 s3, s7;
	s7 =	simm.s32 @!p0 $0x108  }
0x21: {  	s3 =	sadd.s32 s3, s9;
	s6 =	sadd.s32 @!p0 $0x88, s6;
	s7 =	simm.s32 @p2 $0x1082  }
0x22: {  	[simem:s7], [sflag:s8] =	dma.local @!p0 [hbm:s6], $0xF7A  }
0x23: {  	s9 =	sor.u32 $0xD0000000, s2;
	s6 =	simm.s32 $0x108;
	_ =	swait.ge @!p0 [sflag:s8], $0x0  }
0x24: {  	s3 =	sadd.s32 $0x88, s3;
	s6 =	simm.s32 @!p1 $0x1082;
	[sflag:s4] =	ssyncset.s32 $0xFFFFF086  }
0x25: {  	[simem:s6], [sflag:s4] =	dma.local [hbm:s3], $0xF7A  }
0x26: {  	[smem:$0x3F9D] =	sst s1;
	(tag) =	ssettag s2;
	_ =	strace s9  }
0x27: {  	s1 =	sld [smem:$0x3FAD]  }
0x28: {  	s2 =	sld [smem:$0x3FAE]  }
0x29: {  	s4 =	sld [smem:$0x3FB0]  }
0x2a: {  	p0 =	seq.s32 s5, $0x0;
	s5 =	sld [smem:$0x3FB1]  }
0x2b: {  	s6 =	sld [smem:$0x3FB2]  }
0x2c: {  	s7 =	sld [smem:$0x3FB3]  }
0x2d: {  	s3 =	simm.s32 $0x108;
	s8 =	sld [smem:$0x3FB4]  }
0x2e: {  	s3 =	simm.s32 @!p0 $0x1082;
	s9 =	sld [smem:$0x3FB5]  }
0x2f: {  	lr =	sadd.s32 s0, s3;
	s0 =	sld [smem:$0x3FAC]  }
0x30: {  	s3 =	sld [smem:$0x3FAF]  }
0x31: {  	[smem:$0x3FB8] =	sst s10  }
0x32: {  	s10 =	sld [smem:$0x3FB6];
	_ =	sdelay $0x3  }
0x33: {  	p0 =	seq.s32 s10, $0x1;
	s10 =	sld [smem:$0x3FB8];
	_ =	sdelay $0x3  }
0x34: {  	[smem:$0x3FB8] =	sst s10  }
0x35: {  	s10 =	sld [smem:$0x3FB7];
	_ =	sdelay $0x3  }
0x36: {  	p1 =	seq.s32 s10, $0x1;
	s10 =	sld [smem:$0x3FB8];
	_ =	sdelay $0x3  }
0x37: {  	[smem:$0x3FB8] =	sst s10  }
0x38: {  	s10 =	sld [smem:$0x3FB9]  }
0x39: {  	_ = 	snop;
	(pc) =	sbr.ind lr, $3  }
0x3a: {  	_ = 	snop  }
0x3b: {  	_ = 	snop  }
0x3c: {  	p2 =	seq.s32 s10, $0x1;
	s10 =	sld [smem:$0x3FB8]  }
0x3d: {  	_ =	shalt  }
0x3e: {  	_ =	shalt  }
0x3f: {  	_ =	shalt  }
0x40: {  	_ =	shalt  }
0x41: {  	_ =	shalt  }
0x42: {  	_ =	shalt  }
0x43: {  	_ =	shalt  }
0x44: {  	_ =	shalt  }
0x45: {  	_ =	shalt  }
0x46: {  	_ =	shalt  }
0x47: {  	_ =	shalt  }
0x48: {  	_ =	shalt  }
0x49: {  	_ =	shalt  }
0x4a: {  	_ =	shalt  }
0x4b: {  	_ =	shalt  }
0x4c: {  	_ =	shalt  }
0x4d: {  	_ =	shalt  }
0x4e: {  	_ =	shalt  }
0x4f: {  	_ =	shalt  }
0x50: {  	_ =	shalt  }
0x51: {  	_ =	shalt  }
0x52: {  	_ =	shalt  }
0x53: {  	_ =	shalt  }
0x54: {  	_ =	shalt  }
0x55: {  	_ =	shalt  }
0x56: {  	_ =	shalt  }
0x57: {  	_ =	shalt  }
0x58: {  	_ =	shalt  }
0x59: {  	_ =	shalt  }
0x5a: {  	_ =	shalt  }
0x5b: {  	_ =	shalt  }
0x5c: {  	_ =	shalt  }
0x5d: {  	_ =	shalt  }
0x5e: {  	_ =	shalt  }
0x5f: {  	_ =	shalt  }
0x60: {  	_ =	shalt  }
0x61: {  	_ =	shalt  }
0x62: {  	_ =	shalt  }
0x63: {  	_ =	shalt  }
0x64: {  	_ =	shalt  }
0x65: {  	_ =	shalt  }
0x66: {  	_ =	shalt  }
0x67: {  	_ =	shalt  }
0x68: {  	_ =	shalt  }
0x69: {  	_ =	shalt  }
0x6a: {  	_ =	shalt  }
0x6b: {  	_ =	shalt  }
0x6c: {  	_ =	shalt  }
0x6d: {  	_ =	shalt  }
0x6e: {  	_ =	shalt  }
0x6f: {  	_ =	shalt  }
0x70: {  	_ =	shalt  }
0x71: {  	_ =	shalt  }
0x72: {  	_ =	shalt  }
0x73: {  	_ =	shalt  }
0x74: {  	_ =	shalt  }
0x75: {  	_ =	shalt  }
0x76: {  	_ =	shalt  }
0x77: {  	_ =	shalt  }
0x78: {  	_ =	shalt  }
0x79: {  	_ =	shalt  }
0x7a: {  	_ =	shalt  }
0x7b: {  	_ =	shalt  }
0x7c: {  	_ =	shalt  }
0x7d: {  	_ =	shalt  }
0x7e: {  	_ =	shalt  }
0x7f: {  	_ =	shalt  }
0x80: {  	_ =	shalt  }
0x81: {  	_ =	shalt  }
0x82: {  	_ =	shalt  }
0x83: {  	_ =	shalt  }
0x84: {  	_ =	shalt  }
0x85: {  	_ =	shalt  }
0x86: {  	_ =	shalt  }
0x87: {  	_ =	shalt  }
.Lfunc_end0:
.L_simem_size_0:
called_computation.1_lowered:
.L_overlay_start_0:
0x88: {  	s2 =	sld [smem:$0x3FD9]  }
0x89: {  	s3 =	sld [smem:$0x3FFE];
	_ =	sdelay $0x1  }
0x8a: {  	s1 =	srdreg.scid  }
0x8b: {  	s0 =	sand.u32 $0x1, s1  }
0x8c: {  	s17 =	sshll.u32 s0, $0xA;
	s2 =	sadd.s32 s3, s2  }
0x8d: {  	s2 =	sadd.s32 s2, s17  }
0x8e: {  	[smem:$0x3FC4] =	sst s2  }
0x8f: {  	_ = 	snop  }
0x90: {  	s2 =	sld [smem:$0x3FC9]  }
0x91: {  	s18 =	sld [smem:$0x3FD0];
	(tm) =	ssettm $0x1  }
0x92: {  	s4 =	sld [smem:$0x3FFB];
	_ =	sdelay $0x3  }
0x93: {  	_ =	strace s4  }
0x94: {  	s4 =	sld [smem:$0x3FFC];
	_ =	sdelay $0x3  }
0x95: {  	_ =	strace s4  }
0x96: {  	s4 =	sld [smem:$0x3FFD];
	_ =	sdelay $0x3  }
0x97: {  	_ =	strace s4  }
0x98: {  	_ =	strace $0x8FFFFFFF  }
0x99: {  	s19 =	sld [smem:$0x3FDB];
	_ =	sdelay $0x1  }
0x9a: {  	s5 =	simm.s32 $_scs_section_size  }
0x9b: {  	s6 =	simm.s32 $_size__tile_overlayer_lowered;
	s7 =	simm.s32 $_tile_overlayer_lowered  }
0x9c: {  	s22 =	simm.s32 $0x1BFF;
	s21 =	sshll.u32 s7, $0x1;
	s4 =	sadd.s32 s5, s19  }
0x9d: {  	s8 =	simm.s32 $0x0;
	s20 =	sshll.u32 s6, $0x1;
	s6 =	sadd.s32 s21, s4  }
0x9e: {  	[timem:s8], [sflag:s22] =	dma.local [hbm:s6], s20  }
0x9f: {  	_ =	swait.ge [sflag:s22], s20  }
0xa0: {  	s5 =	ssub.s32 $0x0, s20;
	[sflag:s22] =	ssyncset.done $0x0  }
0xa1: {  	[sflag:s22] =	ssyncadd.s32 s5;
	_ =	sdelay $0x1  }
0xa2: {  	s23 =	simm.s32 $0x1B8B  }
0xa3: {  	_ =	swait.ge [sflag:s23], $0x1  }
0xa4: {  	[sflag:s23] =	ssyncset.done $0x0  }
0xa5: {  	s25 =	simm.s32 $0x1B8E;
	s24 =	sld [smem:$0x3FFE];
	[sflag:s23] =	ssyncadd.s32 $0xFFFFFFFF  }
0xa6: {  	s26 =	simm.s32 $execute0_lowered;
	[smem:$0x3FD2] =	sst s25  }
0xa7: {  	s6 =	sshll.u32 s26, $0x1;
	_ =	strace $0x80000049;
	[dreg:$0x1] =	wrdreg $0xFFFFFFFF  }
0xa8: {  	s28 =	simm.s32 $_size_execute0_lowered;
	s4 =	sadd.s32 s4, s6;
	[dreg:$0x0] =	wrdreg $0x0  }
0xa9: {  	s6 =	sshll.u32 s28, $0x1;
	[dreg:$0x2] =	wrdreg s4  }
0xaa: {  	[dreg:$0x3] =	wrdreg s6  }
0xab: {  	[dreg:$0x4] =	wrdreg $0xC0  }
0xac: {  	_ =	task [dreg:s8], $0x5FFFF  }
0xad: {  	[dreg:$0x1] =	wrdreg $0xFFFFFFFF  }
0xae: {  	[dreg:$0x0] =	wrdreg $0x60  }
0xaf: {  	[dreg:$0x2] =	wrdreg s2  }
0xb0: {  	[dreg:$0x3] =	wrdreg s24  }
0xb1: {  	[dreg:$0x4] =	wrdreg s18  }
0xb2: {  	[dreg:$0x5] =	wrdreg $0x9  }
0xb3: {  	_ =	task.clear_ibuf [dreg:s8], $0x6FFFF;
	_ =	strace $0x90000049  }
0xb4: {  	s29 =	simm.s32 $0x9;
	_ =	strace $0x8000004B  }
0xb5: {  	_ =	swait.ge [sflag:s29], $0x1  }
0xb6: {  	[sflag:s29] =	ssyncadd.s32 $0xFFFFFFFF  }
0xb7: {  	_ =	strace $0x9000004B  }
0xb8: {  	_ =	sfence  }
0xb9: {  	s30 =	sld [smem:$0x0];
	_ =	sdelay $0x2  }
0xba: {  	s31 =	sshll.u32 s1, $0xD;
	s1 =	sshrl.u32 s1, $0x2  }
0xbb: {  	s3 =	sand.u32 $0x4000, s31;
	s1 =	sadd.s32 s1, s30  }
0xbc: {  	s0 =	sor.u32 s3, s0;
	s1 =	sshll.u32 s1, $0x11  }
0xbd: {  	s0 =	sor.u32 s1, s0  }
0xbe: {  	s0 =	sadd.s32 $0x8F2B, s0  }
0xbf: {  	[sflag:s0] =	ssyncadd.remote.s32 $0x1  }
0xc0: {  	_ =	sfence.sel $0xFFFF  }
0xc1: {  	[dreg:$0x0] =	wrdreg $0xFFFFFFFF;
	(pc) =	sbr.abs _section_cstart, $3  }
0xc2: {  	[dreg:$0x1] =	wrdreg $0xFFFFFFFF  }
0xc3: {  	_ =	task.clear_ibuf [dreg:s8], $0x2FFFF;
	_ =	strace $0x9FFFFFFF  }
0xc4: {  	(tm) =	ssettm $0x7FFFFFFF  }
0xc5: {  	_ =	shalt  }
tec
execute0_lowered:
.L_overlay_start_1:
0x0: {  	(tag) =	ssettag $0x1  }
0x1: {  	s0 =	rddreg [dreg:$0x0]  }
0x2: {  	s2 =	rddreg [dreg:$0x1]  }
0x3: {  	s12 =	rddreg [dreg:$0x2]  }
0x4: {  	s1 =	simm.s32 $0x0;
	s3 =	srdreg.scid;
	s5 =	stileid.u32  }
0x5: {  	s15 =	simm.s32 $0x200;
	s16 =	simm.s32 $0x80;
	s17 =	simm.s32 $0x280  }
0x6: {  	s18 =	simm.s32 $0x100;
	s19 =	simm.s32 $0x300;
	s20 =	simm.s32 $0x180  }
0x7: {  	s21 =	simm.s32 $0x380;
	s22 =	simm.s32 $0x400;
	s23 =	simm.s32 $0x2400  }
0x8: {  	s25 =	simm.s32 $0x2C00;
	s28 =	simm.s32 $0x3400;
	s29 =	simm.s32 $0x1C00  }
0x9: {  	s30 =	simm.s32 $0x3C00;
	s31 =	simm.s32 $0x1;
	[smem:$0x7FF] =	sst s1  }
0xa: {  	s11 =	sadd.s32 $0x12E2A00, s2;
	s3 =	sand.u32 $0x1, s3;
	s5 =	sshll.u32 s5, $0x7  }
0xb: {  	_ =	strace $0x8000004A;
	s4 =	ssub.s32 $0x2, s3;
	s6 =	sshll.u32 s3, $0x6  }
0xc: {  	s3 =	sadd.s32 $0xA00, s2;
	s26 =	sshrl.u32 s4, $0x1;
	s13 =	sor.u32 s6, s5  }
0xd: {  	s2 =	ssub.s32 s4, s26;
	s4 =	sadd.s32 s0, s13;
	s7 =	sor.u32 $0x10, s13  }
0xe: {  	s5 =	sadd.s32 s11, s13;
	s9 =	sor.u32 $0x20, s13;
	s14 =	sor.u32 $0x30, s13  }
0xf: {  	s12 =	sadd.s32 s12, s13;
	s26 =	simm.s32 $0x1400;
	s6 =	sadd.s32 s0, s7  }
0x10: {  	s7 =	sadd.s32 s11, s7;
	s8 =	sadd.s32 s0, s9;
	s9 =	sadd.s32 s11, s9  }
0x11: {  	v0 =	vlaneseq.u32;
	s10 =	sadd.s32 s0, s14;
	s11 =	sadd.s32 s11, s14;
	s13 =	smax.u32 s2, $0x1  }
0x12: {  	v1 =	vor.u32 $0xFFFFFFF8, v0;
	s14 =	simm.s32 $0x2;
	s0 =	simm.s32 $0x4400;
	s2 =	simm.s32 $0x0  }
.LBB2_1:
0x13: {  	[tilespmem:s1], [sflag:$0x2] =	stream.linear.gather [hbm4b:s4+s1], $0x80, $0x38;
	[tilespmem:$0x4600] =	vst v63  }
0x14: {  	_ =	swait.ge [sflag:s14], $0x80  }
0x15: {  	[sflag:s14] =	ssyncset.done $0x0  }
0x16: {  	[sflag:s14] =	ssyncadd.s32 $0xFFFFFF80  }
0x17: {  	[tilespmem:s15], [sflag:$0x2] =	stream.linear.gather [hbm4b:s5+s1], $0x80, $0x38;
	[tilespmem:$0x4600] =	vst v63  }
0x18: {  	_ =	swait.ge [sflag:s14], $0x80  }
0x19: {  	[sflag:s14] =	ssyncset.done $0x0  }
0x1a: {  	[sflag:s14] =	ssyncadd.s32 $0xFFFFFF80  }
0x1b: {  	[tilespmem:s16], [sflag:$0x2] =	stream.linear.gather [hbm4b:s6+s1], $0x80, $0x38;
	[tilespmem:$0x4600] =	vst v63  }
0x1c: {  	_ =	swait.ge [sflag:s14], $0x80  }
0x1d: {  	[sflag:s14] =	ssyncset.done $0x0  }
0x1e: {  	[sflag:s14] =	ssyncadd.s32 $0xFFFFFF80  }
0x1f: {  	[tilespmem:s17], [sflag:$0x2] =	stream.linear.gather [hbm4b:s7+s1], $0x80, $0x38;
	[tilespmem:$0x4600] =	vst v63  }
0x20: {  	_ =	swait.ge [sflag:s14], $0x80  }
0x21: {  	[sflag:s14] =	ssyncset.done $0x0  }
0x22: {  	[sflag:s14] =	ssyncadd.s32 $0xFFFFFF80  }
0x23: {  	[tilespmem:s18], [sflag:$0x2] =	stream.linear.gather [hbm4b:s8+s1], $0x80, $0x38;
	[tilespmem:$0x4600] =	vst v63  }
0x24: {  	_ =	swait.ge [sflag:s14], $0x80  }
0x25: {  	[sflag:s14] =	ssyncset.done $0x0  }
0x26: {  	[sflag:s14] =	ssyncadd.s32 $0xFFFFFF80  }
0x27: {  	[tilespmem:s19], [sflag:$0x2] =	stream.linear.gather [hbm4b:s9+s1], $0x80, $0x38;
	[tilespmem:$0x4600] =	vst v63  }
0x28: {  	_ =	swait.ge [sflag:s14], $0x80  }
0x29: {  	[sflag:s14] =	ssyncset.done $0x0  }
0x2a: {  	[sflag:s14] =	ssyncadd.s32 $0xFFFFFF80  }
0x2b: {  	[tilespmem:s20], [sflag:$0x2] =	stream.linear.gather [hbm4b:s10+s1], $0x80, $0x38;
	[tilespmem:$0x4600] =	vst v63  }
0x2c: {  	_ =	swait.ge [sflag:s14], $0x80  }
0x2d: {  	[sflag:s14] =	ssyncset.done $0x0  }
0x2e: {  	[sflag:s14] =	ssyncadd.s32 $0xFFFFFF80  }
0x2f: {  	[tilespmem:s21], [sflag:$0x2] =	stream.linear.gather [hbm4b:s11+s1], $0x80, $0x38;
	[tilespmem:$0x4600] =	vst v63  }
0x30: {  	_ =	swait.ge [sflag:s14], $0x80  }
0x31: {  	[sflag:s14] =	ssyncset.done $0x0  }
0x32: {  	[sflag:s14] =	ssyncadd.s32 $0xFFFFFF80  }
0x33: {  	[tilespmem:s22], [sflag:$0x1] =	stream.indirect.gather [hbm4b:s3+s16], $0x10, s1, s16, $0xb8;
	[tilespmem:$0x4600] =	vst v63  }
0x34: {  	_ = 	snop  }
0x35: {  	[tilespmem:s23], [sflag:$0x1] =	stream.indirect.gather [hbm4b:s3+s16], $0x10, s15, s16, $0xb8;
	[tilespmem:$0x4600] =	vst v63  }
0x36: {  	s24 =	simm.s32 $0xC00  }
0x37: {  	[tilespmem:s24], [sflag:$0x1] =	stream.indirect.gather [hbm4b:s3+s16], $0x10, s16, s16, $0xb8;
	[tilespmem:$0x4600] =	vst v63  }
0x38: {  	_ = 	snop  }
0x39: {  	[tilespmem:s25], [sflag:$0x1] =	stream.indirect.gather [hbm4b:s3+s16], $0x10, s17, s16, $0xb8;
	[tilespmem:$0x4600] =	vst v63  }
0x3a: {  	_ = 	snop  }
0x3b: {  	[tilespmem:s26], [sflag:$0x1] =	stream.indirect.gather [hbm4b:s3+s16], $0x10, s18, s16, $0xb8;
	[tilespmem:$0x4600] =	vst v63  }
0x3c: {  	_ = 	snop  }
0x3d: {  	[tilespmem:s28], [sflag:$0x1] =	stream.indirect.gather [hbm4b:s3+s16], $0x10, s19, s16, $0xb8;
	[tilespmem:$0x4600] =	vst v63  }
0x3e: {  	_ = 	snop  }
0x3f: {  	[tilespmem:s29], [sflag:$0x1] =	stream.indirect.gather [hbm4b:s3+s16], $0x10, s20, s16, $0xb8;
	[tilespmem:$0x4600] =	vst v63  }
0x40: {  	_ = 	snop  }
0x41: {  	[tilespmem:s30], [sflag:$0x1] =	stream.indirect.gather [hbm4b:s3+s16], $0x10, s21, s16, $0xb8;
	[tilespmem:$0x4600] =	vst v63  }
0x42: {  	_ =	swait.ge [sflag:s31], $0x800  }
0x43: {  	[sflag:s31] =	ssyncset.done $0x0  }
0x44: {  	[sflag:s31] =	ssyncadd.s32 $0xFFFFF800  }
0x45: {  	_ =	swait.ge [sflag:s31], $0x800  }
0x46: {  	[sflag:s31] =	ssyncset.done $0x0  }
0x47: {  	[sflag:s31] =	ssyncadd.s32 $0xFFFFF800  }
0x48: {  	_ =	swait.ge [sflag:s31], $0x800  }
0x49: {  	[sflag:s31] =	ssyncset.done $0x0  }
0x4a: {  	[sflag:s31] =	ssyncadd.s32 $0xFFFFF800  }
0x4b: {  	_ =	swait.ge [sflag:s31], $0x800  }
0x4c: {  	[sflag:s31] =	ssyncset.done $0x0  }
0x4d: {  	[sflag:s31] =	ssyncadd.s32 $0xFFFFF800  }
0x4e: {  	_ =	swait.ge [sflag:s31], $0x800  }
0x4f: {  	[sflag:s31] =	ssyncset.done $0x0  }
0x50: {  	[sflag:s31] =	ssyncadd.s32 $0xFFFFF800  }
0x51: {  	_ =	swait.ge [sflag:s31], $0x800  }
0x52: {  	[sflag:s31] =	ssyncset.done $0x0  }
0x53: {  	[sflag:s31] =	ssyncadd.s32 $0xFFFFF800  }
0x54: {  	v3 =	vor.u32 s1, v0;
	_ =	swait.ge [sflag:s31], $0x800  }
0x55: {  	v2 =	vshll.u32 v3, $0x4;
	[sflag:s31] =	ssyncset.done $0x0  }
0x56: {  	[sflag:s31] =	ssyncadd.s32 $0xFFFFF800  }
0x57: {  	v4 =	vor.u32 $0x1, v2;
	_ =	swait.ge [sflag:s31], $0x800  }
0x58: {  	[sflag:s31] =	ssyncset.done $0x0  }
0x59: {  	v5 =	vor.u32 $0x2, v2;
	[sflag:s31] =	ssyncadd.s32 $0xFFFFF800  }
0x5a: {  	v6 =	vld.idx.msk [tilespmem:v2+s23+$0x0], $0xffff  }
0x5b: {  	v8 =	vor.u32 $0x3, v2;
	v7 =	vld.idx.msk [tilespmem:v2+s22+$0x0], $0xffff  }
0x5c: {  	v9 =	vld.idx.msk [tilespmem:v4+s22+$0x0], $0xffff  }
0x5d: {  	v10 =	vor.u32 $0x4, v2;
	v4 =	vld.idx.msk [tilespmem:v4+s23+$0x0], $0xffff  }
0x5e: {  	v11 =	vld.idx.msk [tilespmem:v5+s22+$0x0], $0xffff  }
0x5f: {  	v12 =	vor.u32 $0x5, v2;
	v5 =	vld.idx.msk [tilespmem:v5+s23+$0x0], $0xffff  }
0x60: {  	v13 =	vld.idx.msk [tilespmem:v8+s22+$0x0], $0xffff;
	v6 =	vmul.f32 v6, v7  }
0x61: {  	v7 =	vld.idx.msk [tilespmem:v8+s23+$0x0], $0xffff;
	v8 =	vor.u32 $0x6, v2  }
0x62: {  	v14 =	vld.idx.msk [tilespmem:v10+s22+$0x0], $0xffff;
	v4 =	vmul.f32 v4, v9;
	v6 =	vadd.f32 $0.0e+00, v6  }
0x63: {  	v46 =	vor.u32 $0x7, v2;
	v45 =	vld.idx.msk [tilespmem:v10+s23+$0x0], $0xffff  }
0x64: {  	v15 =	vld.idx.msk [tilespmem:v12+s22+$0x0], $0xffff;
	v5 =	vmul.f32 v5, v11;
	v4 =	vadd.f32 v4, v6  }
0x65: {  	v47 =	vor.u32 $0x8, v2;
	v6 =	vld.idx.msk [tilespmem:v12+s23+$0x0], $0xffff  }
0x66: {  	v48 =	vld.idx.msk [tilespmem:v8+s22+$0x0], $0xffff;
	v4 =	vadd.f32 v5, v4;
	v5 =	vmul.f32 v7, v13  }
0x67: {  	v7 =	vld.idx.msk [tilespmem:v8+s23+$0x0], $0xffff;
	v8 =	vor.u32 $0x9, v2  }
0x68: {  	v49 =	vld.idx.msk [tilespmem:v46+s22+$0x0], $0xffff;
	v4 =	vadd.f32 v5, v4;
	v5 =	vmul.f32 v45, v14  }
0x69: {  	v51 =	vor.u32 $0xA, v2;
	v50 =	vld.idx.msk [tilespmem:v46+s23+$0x0], $0xffff  }
0x6a: {  	v52 =	vld.idx.msk [tilespmem:v47+s22+$0x0], $0xffff;
	v4 =	vadd.f32 v5, v4;
	v5 =	vmul.f32 v6, v15  }
0x6b: {  	v53 =	vor.u32 $0xB, v2;
	v6 =	vld.idx.msk [tilespmem:v47+s23+$0x0], $0xffff  }
0x6c: {  	v54 =	vld.idx.msk [tilespmem:v8+s22+$0x0], $0xffff;
	v4 =	vadd.f32 v5, v4;
	v5 =	vmul.f32 v7, v48  }
0x6d: {  	v7 =	vld.idx.msk [tilespmem:v8+s23+$0x0], $0xffff;
	v8 =	vor.u32 $0xC, v2  }
0x6e: {  	v55 =	vld.idx.msk [tilespmem:v51+s22+$0x0], $0xffff;
	v4 =	vadd.f32 v5, v4;
	v5 =	vmul.f32 v50, v49  }
0x6f: {  	v57 =	vor.u32 $0xD, v2;
	v56 =	vld.idx.msk [tilespmem:v51+s23+$0x0], $0xffff  }
0x70: {  	v58 =	vld.idx.msk [tilespmem:v53+s22+$0x0], $0xffff;
	v4 =	vadd.f32 v5, v4;
	v5 =	vmul.f32 v6, v52  }
0x71: {  	v59 =	vor.u32 $0xE, v2;
	v6 =	vld.idx.msk [tilespmem:v53+s23+$0x0], $0xffff  }
0x72: {  	v60 =	vld.idx.msk [tilespmem:v8+s22+$0x0], $0xffff;
	v4 =	vadd.f32 v5, v4;
	v5 =	vmul.f32 v7, v54  }
0x73: {  	v2 =	vor.u32 $0xF, v2;
	v7 =	vld.idx.msk [tilespmem:v8+s23+$0x0], $0xffff  }
0x74: {  	v61 =	vld.idx.msk [tilespmem:v57+s23+$0x0], $0xffff;
	v4 =	vadd.f32 v5, v4;
	v5 =	vmul.f32 v56, v55  }
0x75: {  	v8 =	vld.idx.msk [tilespmem:v57+s22+$0x0], $0xffff  }
0x76: {  	v62 =	vld.idx.msk [tilespmem:v59+s22+$0x0], $0xffff;
	v4 =	vadd.f32 v5, v4;
	v5 =	vmul.f32 v6, v58  }
0x77: {  	v6 =	vld.idx.msk [tilespmem:v59+s23+$0x0], $0xffff  }
0x78: {  	v63 =	vld.idx.msk [tilespmem:v2+s22+$0x0], $0xffff;
	v4 =	vadd.f32 v5, v4;
	v5 =	vmul.f32 v7, v60  }
0x79: {  	v7 =	vld.idx.msk [tilespmem:v2+s23+$0x0], $0xffff  }
0x7a: {  	v2 =	vadd.f32 v5, v4;
	v4 =	vmul.f32 v61, v8;
	_ =	sdelay $0x1  }
0x7b: {  	s24 =	simm.s32 $0x10;
	v6 =	vmul.f32 v6, v62;
	v5 =	vadd.f32 v4, v2  }
0x7c: {  	v2 =	vor.u32 s24, v0;
	v4 =	vand.u32 v1, v3  }
0x7d: {  	s24 =	simm.s32 $0x20;
	v3 =	vshll.u32 v2, $0x4;
	v5 =	vadd.f32 v6, v5;
	v6 =	vmul.f32 v7, v63  }
.LBB2_2:
0x7e: {  	p0 =	sne.s32 s24, $0x1F0  }
0x7f: {  	v7 =	vor.u32 $0x1, v3;
	v5 =	vadd.f32 v6, v5;
	_ =	sdelay $0x1  }
0x80: {  	v6 =	vor.u32 $0x2, v3;
	[tilespmem:v4+s0+$0x0] =	vst.idx.msk $0xffff, v5  }
0x81: {  	v4 =	vld.idx.msk [tilespmem:v3+s23+$0x0], $0xffff  }
0x82: {  	v8 =	vor.u32 $0x3, v3;
	v5 =	vld.idx.msk [tilespmem:v3+s22+$0x0], $0xffff  }
0x83: {  	v9 =	vld.idx.msk [tilespmem:v7+s22+$0x0], $0xffff  }
0x84: {  	v10 =	vor.u32 $0x4, v3;
	v7 =	vld.idx.msk [tilespmem:v7+s23+$0x0], $0xffff  }
0x85: {  	v11 =	vld.idx.msk [tilespmem:v6+s22+$0x0], $0xffff  }
0x86: {  	v12 =	vor.u32 $0x5, v3;
	v6 =	vld.idx.msk [tilespmem:v6+s23+$0x0], $0xffff  }
0x87: {  	v13 =	vld.idx.msk [tilespmem:v8+s22+$0x0], $0xffff  }
0x88: {  	v4 =	vmul.f32 v4, v5;
	v5 =	vld.idx.msk [tilespmem:v8+s23+$0x0], $0xffff;
	v8 =	vor.u32 $0x6, v3  }
0x89: {  	v14 =	vld.idx.msk [tilespmem:v10+s22+$0x0], $0xffff  }
0x8a: {  	v4 =	vadd.f32 $0.0e+00, v4;
	v7 =	vmul.f32 v7, v9;
	v9 =	vld.idx.msk [tilespmem:v10+s23+$0x0], $0xffff;
	v10 =	vor.u32 $0x7, v3  }
0x8b: {  	v15 =	vld.idx.msk [tilespmem:v12+s22+$0x0], $0xffff  }
0x8c: {  	v4 =	vadd.f32 v7, v4;
	v6 =	vmul.f32 v6, v11;
	v11 =	vor.u32 $0x8, v3;
	v7 =	vld.idx.msk [tilespmem:v12+s23+$0x0], $0xffff  }
0x8d: {  	v12 =	vld.idx.msk [tilespmem:v8+s22+$0x0], $0xffff  }
0x8e: {  	v4 =	vadd.f32 v6, v4;
	v5 =	vmul.f32 v5, v13;
	v6 =	vld.idx.msk [tilespmem:v8+s23+$0x0], $0xffff;
	v8 =	vor.u32 $0x9, v3  }
0x8f: {  	v13 =	vld.idx.msk [tilespmem:v10+s22+$0x0], $0xffff  }
0x90: {  	v4 =	vadd.f32 v5, v4;
	v5 =	vmul.f32 v9, v14;
	v9 =	vld.idx.msk [tilespmem:v10+s23+$0x0], $0xffff;
	v10 =	vor.u32 $0xA, v3  }
0x91: {  	v14 =	vld.idx.msk [tilespmem:v11+s22+$0x0], $0xffff  }
0x92: {  	v4 =	vadd.f32 v5, v4;
	v5 =	vmul.f32 v7, v15;
	v7 =	vld.idx.msk [tilespmem:v11+s23+$0x0], $0xffff;
	v11 =	vor.u32 $0xB, v3  }
0x93: {  	v15 =	vld.idx.msk [tilespmem:v8+s22+$0x0], $0xffff  }
0x94: {  	v4 =	vadd.f32 v5, v4;
	v5 =	vmul.f32 v6, v12;
	v6 =	vld.idx.msk [tilespmem:v8+s23+$0x0], $0xffff;
	v8 =	vor.u32 $0xC, v3  }
0x95: {  	v12 =	vld.idx.msk [tilespmem:v10+s22+$0x0], $0xffff  }
0x96: {  	v4 =	vadd.f32 v5, v4;
	v5 =	vmul.f32 v9, v13;
	v9 =	vld.idx.msk [tilespmem:v10+s23+$0x0], $0xffff;
	v10 =	vor.u32 $0xD, v3  }
0x97: {  	v13 =	vld.idx.msk [tilespmem:v11+s22+$0x0], $0xffff  }
0x98: {  	v4 =	vadd.f32 v5, v4;
	v5 =	vmul.f32 v7, v14;
	v7 =	vld.idx.msk [tilespmem:v11+s23+$0x0], $0xffff;
	v11 =	vor.u32 $0xE, v3  }
0x99: {  	v14 =	vld.idx.msk [tilespmem:v8+s22+$0x0], $0xffff  }
0x9a: {  	v3 =	vor.u32 $0xF, v3;
	v4 =	vadd.f32 v5, v4;
	v5 =	vmul.f32 v6, v15;
	v6 =	vld.idx.msk [tilespmem:v8+s23+$0x0], $0xffff  }
0x9b: {  	v8 =	vld.idx.msk [tilespmem:v10+s22+$0x0], $0xffff  }
0x9c: {  	v4 =	vadd.f32 v5, v4;
	v5 =	vmul.f32 v9, v12;
	v9 =	vld.idx.msk [tilespmem:v10+s23+$0x0], $0xffff  }
0x9d: {  	v10 =	vld.idx.msk [tilespmem:v11+s22+$0x0], $0xffff  }
0x9e: {  	v4 =	vadd.f32 v5, v4;
	v5 =	vmul.f32 v7, v13;
	v7 =	vld.idx.msk [tilespmem:v11+s23+$0x0], $0xffff  }
0x9f: {  	v11 =	vld.idx.msk [tilespmem:v3+s22+$0x0], $0xffff  }
0xa0: {  	v4 =	vadd.f32 v5, v4;
	v5 =	vmul.f32 v6, v14;
	v6 =	vld.idx.msk [tilespmem:v3+s23+$0x0], $0xffff;
	_ =	sdelay $0x1  }
.Ltmp0:
0xa1: {  	v3 =	vadd.f32 v5, v4;
	v4 =	vmul.f32 v9, v8;
	(pc) =	sbr.rel @p0 .LBB2_2-.Ltmp0, $4  }
0xa2: {  	_ = 	snop  }
0xa3: {  	v5 =	vadd.f32 v4, v3;
	v7 =	vmul.f32 v7, v10  }
0xa4: {  	v4 =	vand.u32 v1, v2;
	v2 =	vor.u32 s24, v0  }
0xa5: {  	s24 =	sadd.s32 $0x10, s24;
	v3 =	vshll.u32 v2, $0x4;
	v5 =	vadd.f32 v7, v5;
	v6 =	vmul.f32 v6, v11  }
0xa6: {  	_ =	sdelay $0x1  }
0xa7: {  	v7 =	vor.u32 $0x1, v3;
	v5 =	vadd.f32 v6, v5;
	_ =	sdelay $0x1  }
0xa8: {  	v21 =	vor.u32 $0x2, v3;
	[tilespmem:v4+s0+$0x0] =	vst.idx.msk $0xffff, v5  }
0xa9: {  	v4 =	vld.idx.msk [tilespmem:v3+s23+$0x0], $0xffff  }
0xaa: {  	v8 =	vor.u32 $0x3, v3;
	v5 =	vld.idx.msk [tilespmem:v3+s22+$0x0], $0xffff  }
0xab: {  	v9 =	vld.idx.msk [tilespmem:v7+s22+$0x0], $0xffff  }
0xac: {  	v10 =	vor.u32 $0x4, v3;
	v7 =	vld.idx.msk [tilespmem:v7+s23+$0x0], $0xffff  }
0xad: {  	v11 =	vld.idx.msk [tilespmem:v21+s22+$0x0], $0xffff  }
0xae: {  	v12 =	vor.u32 $0x5, v3;
	v6 =	vld.idx.msk [tilespmem:v21+s23+$0x0], $0xffff  }
0xaf: {  	v13 =	vld.idx.msk [tilespmem:v8+s22+$0x0], $0xffff;
	v4 =	vmul.f32 v4, v5  }
0xb0: {  	v23 =	vor.u32 $0x6, v3;
	v22 =	vld.idx.msk [tilespmem:v8+s23+$0x0], $0xffff  }
0xb1: {  	v14 =	vld.idx.msk [tilespmem:v10+s22+$0x0], $0xffff;
	v7 =	vmul.f32 v7, v9;
	v4 =	vadd.f32 $0.0e+00, v4  }
0xb2: {  	v25 =	vor.u32 $0x7, v3;
	v24 =	vld.idx.msk [tilespmem:v10+s23+$0x0], $0xffff  }
0xb3: {  	v15 =	vld.idx.msk [tilespmem:v12+s22+$0x0], $0xffff;
	v6 =	vmul.f32 v6, v11;
	v4 =	vadd.f32 v7, v4  }
0xb4: {  	v27 =	vor.u32 $0x8, v3;
	v26 =	vld.idx.msk [tilespmem:v12+s23+$0x0], $0xffff  }
0xb5: {  	v28 =	vld.idx.msk [tilespmem:v23+s22+$0x0], $0xffff;
	v5 =	vmul.f32 v22, v13;
	v4 =	vadd.f32 v6, v4  }
0xb6: {  	v30 =	vor.u32 $0x9, v3;
	v29 =	vld.idx.msk [tilespmem:v23+s23+$0x0], $0xffff  }
0xb7: {  	v31 =	vld.idx.msk [tilespmem:v25+s22+$0x0], $0xffff;
	v32 =	vmul.f32 v24, v14;
	v4 =	vadd.f32 v5, v4  }
0xb8: {  	v34 =	vor.u32 $0xA, v3;
	v33 =	vld.idx.msk [tilespmem:v25+s23+$0x0], $0xffff  }
0xb9: {  	v35 =	vld.idx.msk [tilespmem:v27+s22+$0x0], $0xffff;
	v36 =	vmul.f32 v26, v15;
	v4 =	vadd.f32 v32, v4  }
0xba: {  	v38 =	vor.u32 $0xB, v3;
	v37 =	vld.idx.msk [tilespmem:v27+s23+$0x0], $0xffff  }
0xbb: {  	v39 =	vld.idx.msk [tilespmem:v30+s22+$0x0], $0xffff;
	v40 =	vmul.f32 v29, v28;
	v4 =	vadd.f32 v36, v4  }
0xbc: {  	v42 =	vor.u32 $0xC, v3;
	v41 =	vld.idx.msk [tilespmem:v30+s23+$0x0], $0xffff  }
0xbd: {  	v43 =	vld.idx.msk [tilespmem:v34+s22+$0x0], $0xffff;
	v44 =	vmul.f32 v33, v31;
	v4 =	vadd.f32 v40, v4  }
0xbe: {  	v46 =	vor.u32 $0xD, v3;
	v45 =	vld.idx.msk [tilespmem:v34+s23+$0x0], $0xffff  }
0xbf: {  	v47 =	vld.idx.msk [tilespmem:v38+s22+$0x0], $0xffff;
	v48 =	vmul.f32 v37, v35;
	v4 =	vadd.f32 v44, v4  }
0xc0: {  	v50 =	vor.u32 $0xE, v3;
	v49 =	vld.idx.msk [tilespmem:v38+s23+$0x0], $0xffff  }
0xc1: {  	v51 =	vld.idx.msk [tilespmem:v42+s22+$0x0], $0xffff;
	v52 =	vmul.f32 v41, v39;
	v4 =	vadd.f32 v48, v4  }
0xc2: {  	v3 =	vor.u32 $0xF, v3;
	v53 =	vld.idx.msk [tilespmem:v42+s23+$0x0], $0xffff  }
0xc3: {  	v54 =	vld.idx.msk [tilespmem:v46+s22+$0x0], $0xffff;
	v55 =	vmul.f32 v45, v43;
	v4 =	vadd.f32 v52, v4  }
0xc4: {  	v56 =	vld.idx.msk [tilespmem:v46+s23+$0x0], $0xffff  }
0xc5: {  	v57 =	vld.idx.msk [tilespmem:v50+s22+$0x0], $0xffff;
	v58 =	vmul.f32 v49, v47;
	v4 =	vadd.f32 v55, v4  }
0xc6: {  	v59 =	vld.idx.msk [tilespmem:v50+s23+$0x0], $0xffff  }
0xc7: {  	v60 =	vld.idx.msk [tilespmem:v3+s22+$0x0], $0xffff;
	v61 =	vmul.f32 v53, v51;
	v4 =	vadd.f32 v58, v4  }
0xc8: {  	v3 =	vld.idx.msk [tilespmem:v3+s23+$0x0], $0xffff  }
0xc9: {  	v62 =	vmul.f32 v56, v54;
	v4 =	vadd.f32 v61, v4;
	_ =	sdelay $0x1  }
0xca: {  	v63 =	vmul.f32 v59, v57;
	v4 =	vadd.f32 v62, v4  }
0xcb: {  	v2 =	vand.u32 v1, v2  }
0xcc: {  	v3 =	vmul.f32 v3, v60;
	v4 =	vadd.f32 v63, v4;
	_ =	sdelay $0x1  }
0xcd: {  	s2 =	sadd.s32 $0x1, s2;
	v3 =	vadd.f32 v3, v4  }
0xce: {  	p0 =	sne.s32 s2, s13  }
.Ltmp1:
0xcf: {  	[tilespmem:v2+s0+$0x0] =	vst.idx.msk $0xffff, v3;
	(pc) =	sbr.rel @p0 .LBB2_1-.Ltmp1, $4  }
0xd0: {  	[hbm4b:s12+s1] =	stream.linear.scatter [tilespmem:s0], [sflag:$0x2], $0x200, $0x38;
	[tilespmem:$0x4600] =	vst v63  }
0xd1: {  	_ =	swait.ge [sflag:s14], $0x200  }
0xd2: {  	[sflag:s14] =	ssyncset.done $0x0  }
0xd3: {  	[sflag:s14] =	ssyncadd.s32 $0xFFFFFE00  }
0xd4: {  	_ =	sfence.sel $0x180000  }
0xd5: {  	[bflag:$0x0] =	sbarrier.arrive $0xFFFF  }
0xd6: {  	_ =	strace $0x9000004A  }
0xd7: {  	s0 =	stileid.u32;
	[bflag:$0x2] =	sbarrier.arrive $0xFFFF  }
0xd8: {  	p0 =	sne.s32 s0, $0x0;
	s0 =	rddreg [dreg:$0x3]  }
0xd9: {  	s0 =	sadd.s32 @!p0 $0x100000, s0  }
0xda: {  	[sflag:s0] =	ssyncadd.tile.s32 @!p0 $0x1;
	_ =	shalt  }
.Lfunc_end2:
_tile_overlayer_lowered:
.L_overlay_start_2:
0xdb: {  	(tag) =	ssettag $0x2  }
0xdc: {  	s0 =	rddreg [dreg:$0x0];
	s2 =	stileid.u32  }
0xdd: {  	s1 =	rddreg [dreg:$0x1];
	p0 =	sne.s32 s2, $0x0  }
0xde: {  	s3 =	rddreg [dreg:$0x2];
	[bflag:$0x3] =	sbarrier.arrive $0xFFFF;
	s2 =	simm.s32 @!p0 $0x1C02  }
0xdf: {  	[timem:s3], [sflag:s2] =	dma.local @!p0 [hbm:s0], s1  }
0xe0: {  	s0 =	simm.s32 @!p0 $0x2  }
0xe1: {  	_ =	swait.ge @!p0 [sflag:s0], s1  }
0xe2: {  	s1 =	ssub.s32 @!p0 $0x0, s1;
	[sflag:s0] =	ssyncset.done @!p0 $0x0  }
0xe3: {  	[sflag:s0] =	ssyncadd.s32 @!p0 s1  }
0xe4: {  	[bflag:$0x3] =	sbarrier.arrive $0xFFFF  }
0xe5: {  	_ =	shalt  }

// kernel: sparse-core-data-format-call.cloned.1.call-start
scs
called_computation_lowered:
.L_overlay_start_0:
0x0: {  	s1 =	sld [smem:$0x3FD9]  }
0x1: {  	s2 =	sld [smem:$0x3FFE];
	_ =	sdelay $0x1  }
0x2: {  	s3 =	srdreg.scid  }
0x3: {  	s0 =	sand.u32 $0x1, s3  }
0x4: {  	s17 =	sshll.u32 s0, $0xA;
	s1 =	sadd.s32 s2, s1  }
0x5: {  	s1 =	sadd.s32 s1, s17  }
0x6: {  	[smem:$0x3FC4] =	sst s1  }
0x7: {  	_ = 	snop  }
0x8: {  	(tm) =	ssettm $0x1  }
0x9: {  	s18 =	sld [smem:$0x3FFB];
	_ =	sdelay $0x3  }
0xa: {  	_ =	strace s18  }
0xb: {  	s1 =	sld [smem:$0x3FFC];
	_ =	sdelay $0x3  }
0xc: {  	_ =	strace s1  }
0xd: {  	s1 =	sld [smem:$0x3FFD];
	_ =	sdelay $0x3  }
0xe: {  	_ =	strace s1  }
0xf: {  	_ =	strace $0x8FFFFFFF  }
0x10: {  	s19 =	sld [smem:$0x3FDB];
	_ =	sdelay $0x1  }
0x11: {  	s20 =	simm.s32 $_scs_section_size  }
0x12: {  	s4 =	simm.s32 $_size__tile_overlayer_lowered;
	s5 =	simm.s32 $_tile_overlayer_lowered  }
0x13: {  	s23 =	simm.s32 $0x1BFF;
	s22 =	sshll.u32 s5, $0x1;
	s1 =	sadd.s32 s20, s19  }
0x14: {  	s6 =	simm.s32 $0x0;
	s21 =	sshll.u32 s4, $0x1;
	s4 =	sadd.s32 s22, s1  }
0x15: {  	[timem:s6], [sflag:s23] =	dma.local [hbm:s4], s21  }
0x16: {  	_ =	swait.ge [sflag:s23], s21  }
0x17: {  	s2 =	ssub.s32 $0x0, s21;
	[sflag:s23] =	ssyncset.done $0x0  }
0x18: {  	[sflag:s23] =	ssyncadd.s32 s2;
	_ =	sdelay $0x1  }
0x19: {  	s24 =	simm.s32 $0x1B8B  }
0x1a: {  	_ =	swait.ge [sflag:s24], $0x1  }
0x1b: {  	[sflag:s24] =	ssyncset.done $0x0  }
0x1c: {  	s26 =	simm.s32 $0x1B8E;
	s25 =	sld [smem:$0x3FFE];
	[sflag:s24] =	ssyncadd.s32 $0xFFFFFFFF  }
0x1d: {  	s27 =	simm.s32 $execute0_lowered;
	[smem:$0x3FD2] =	sst s26  }
0x1e: {  	s4 =	sshll.u32 s27, $0x1;
	_ =	strace $0x80000046;
	[dreg:$0x1] =	wrdreg $0xFFFFFFFF  }
0x1f: {  	s28 =	simm.s32 $_size_execute0_lowered;
	s1 =	sadd.s32 s1, s4;
	[dreg:$0x0] =	wrdreg $0x0  }
0x20: {  	s4 =	sshll.u32 s28, $0x1;
	[dreg:$0x2] =	wrdreg s1  }
0x21: {  	[dreg:$0x3] =	wrdreg s4  }
0x22: {  	[dreg:$0x4] =	wrdreg $0xC0  }
0x23: {  	_ =	task [dreg:s6], $0x5FFFF  }
0x24: {  	[dreg:$0x1] =	wrdreg $0xFFFFFFFF  }
0x25: {  	[dreg:$0x0] =	wrdreg $0x60  }
0x26: {  	[dreg:$0x2] =	wrdreg s25  }
0x27: {  	[dreg:$0x3] =	wrdreg $0x9  }
0x28: {  	_ =	task.clear_ibuf [dreg:s6], $0x4FFFF;
	_ =	strace $0x90000046  }
0x29: {  	s29 =	simm.s32 $0x9;
	_ =	strace $0x80000048  }
0x2a: {  	_ =	swait.ge [sflag:s29], $0x1  }
0x2b: {  	[sflag:s29] =	ssyncadd.s32 $0xFFFFFFFF  }
0x2c: {  	_ =	strace $0x90000048  }
0x2d: {  	_ =	sfence  }
0x2e: {  	s30 =	sld [smem:$0x0];
	_ =	sdelay $0x2  }
0x2f: {  	s31 =	sshll.u32 s3, $0xD;
	s3 =	sshrl.u32 s3, $0x2  }
0x30: {  	s2 =	sand.u32 $0x4000, s31;
	s1 =	sadd.s32 s3, s30  }
0x31: {  	s0 =	sor.u32 s2, s0;
	s1 =	sshll.u32 s1, $0x11  }
0x32: {  	s0 =	sor.u32 s1, s0  }
0x33: {  	s0 =	sadd.s32 $0x8F2B, s0  }
0x34: {  	[sflag:s0] =	ssyncadd.remote.s32 $0x1  }
0x35: {  	_ =	sfence.sel $0xFFFF  }
0x36: {  	[dreg:$0x0] =	wrdreg $0xFFFFFFFF;
	(pc) =	sbr.abs _section_cstart, $3  }
0x37: {  	[dreg:$0x1] =	wrdreg $0xFFFFFFFF  }
0x38: {  	_ =	task.clear_ibuf [dreg:s6], $0x2FFFF;
	_ =	strace $0x9FFFFFFF  }
0x39: {  	(tm) =	ssettm $0x7FFFFFFF  }
tec
execute0_lowered:
.L_overlay_start_1:
0x0: {  	(tag) =	ssettag $0x1  }
0x1: {  	s0 =	srdreg.scid  }
0x2: {  	s5 =	rddreg [dreg:$0x0];
	s1 =	stileid.u32;
	s4 =	simm.s32 $0x1  }
0x3: {  	s6 =	simm.s32 $0x2;
	s15 =	simm.s32 $0x0;
	p0 =	por $0x0, $0x0  }
0x4: {  	s8 =	simm.s32 $0x80;
	s14 =	simm.s32 $0x0;
	s2 =	sshll.u32 s0, $0x4  }
0x5: {  	s9 =	simm.s32 $0x0;
	s10 =	simm.s32 $0x0;
	s2 =	sand.u32 $0x10, s2  }
.Ltmp0:
0x6: {  	s12 =	simm.s32 $0x0;
	s3 =	sor.u32 s1, s2;
	(pc) =	sbr.rel .LBB1_1-.Ltmp0, $4  }
0x7: {  	s0 =	rddreg [dreg:$0x1];
	_ =	strace $0x80000047;
	s3 =	sshll.u32 s3, $0x8  }
0x8: {  	s13 =	simm.s32 $0x0;
	[sflag:s4] =	ssyncpa.u1 $0x0;
	s7 =	ssub.s32 $0x10C800, s3  }
0x9: {  	s2 =	sadd.s32 $0xA00, s5;
	[sflag:s6] =	ssyncpa.u1 $0x0;
	s6 =	sshrl.u32 s7, $0xD  }
0xa: {  	s5 =	sadd.s32 $0x219C00, s5;
	s11 =	smov.u32 s3;
	s7 =	sadd.s32 $0x2, s6  }
.LBB1_5:
0xb: {  	p1 =	slt.u32 s13, $0x2  }
0xc: {  	s17 =	smov.u32 s15;
	p2 =	sgt.s32 @!p1 s15, $0x10C7E0;
	s16 =	sshra.s32 @!p1 s15, $0x1F  }
0xd: {  	p3 =	sgt.s32 @!p1 s14, $0x70;
	s18 =	sshra.s32 @!p1 s14, $0x1F;
	p2 =	por !p2, p1  }
0xe: {  	s15 =	sand.u32 @!p1 s16, s15;
	p3 =	por !p3, p1;
	s16 =	smov.u32 s14  }
0xf: {  	s14 =	sand.u32 @!p1 s18, s14;
	s17 =	simm.s32 @p2 $0x10C7E0;
	s16 =	simm.s32 @p3 $0x70  }
0x10: {  	s15 =	ssub.s32 @!p1 s17, s15;
	s14 =	ssub.s32 @!p1 s16, s14  }
0x11: {  	s18 =	smov.u32 s12;
	s16 =	sadd.s32 @!p1 $0xFFEF3820, s15;
	s17 =	sadd.s32 @!p1 $0xFFFFFF90, s14  }
0x12: {  	s15 =	ssub.s32 @!p1 $0x10C8E0, s15;
	p2 =	sgt.s32 @!p1 s16, $0xFF;
	p3 =	sgt.s32 @!p1 s17, $0xF  }
0x13: {  	s14 =	ssub.s32 @!p1 $0x80, s14;
	p2 =	por !p2, p1;
	p3 =	por !p3, p1  }
0x14: {  	s16 =	sadd.s32 $0x2000, s11;
	s15 =	simm.s32 @!p2 $0x0;
	s14 =	simm.s32 @!p3 $0x0  }
0x15: {  	p2 =	sgt.s32 s16, $0x10C8DF;
	s14 =	smul.u32 @!p1 s14, s15;
	s15 =	sadd.s32 $0x10, s12  }
0x16: {  	s18 =	smov.u32 @p2 s15  }
0x17: {  	s16 =	smov.u32 @p2 s3;
	p2 =	sgt.s32 s18, $0xF  }
0x18: {  	s18 =	simm.s32 @p2 $0x0;
	p2 =	sne.s32 s13, s7  }
.Ltmp1:
0x19: {  	p0 =	por !p0, !p0;
	s17 =	simm.s32 @!p1 $0x2;
	(pc) =	sbr.rel @!p2 .LBB1_6-.Ltmp1, $4  }
0x1a: {  	s15 =	smov.u32 s9;
	s9 =	smov.u32 s11;
	s14 =	sand.u32 @!p1 $0x3FFFFFFF, s14  }
0x1b: {  	s11 =	smov.u32 s16;
	_ =	swait.ge @!p1 [sflag:s17], s14;
	s19 =	ssub.s32 @!p1 $0x0, s14  }
0x1c: {  	s14 =	smov.u32 s10;
	s13 =	sadd.s32 $0x1, s13;
	[sflag:s17] =	ssyncset.done @!p1 $0x0  }
0x1d: {  	s10 =	smov.u32 s12;
	s12 =	smov.u32 s18;
	[sflag:s17] =	ssyncadd.s32 @!p1 s19  }
.LBB1_1:
0x1e: {  	p1 =	sgt.u32 s13, s6  }
0x1f: {  	s16 =	sshrl.u32 @!p1 s12, $0x3  }
0x20: {  	s17 =	sshll.u32 @!p1 s11, $0x3;
	s16 =	smul.u32 @!p1 $0x864800, s16  }
0x21: {  	s18 =	sshll.u32 @!p1 s12, $0x7;
	s17 =	sand.u32 @!p1 $0xFFFFFC00, s17  }
0x22: {  	s16 =	sadd.s32 @!p1 s16, s17;
	s17 =	sand.u32 @!p1 $0x380, s18  }
0x23: {  	s18 =	sand.u32 @!p1 $0x7F, s11;
	s16 =	sor.u32 @!p1 s17, s16  }
0x24: {  	s17 =	sor.u32 @!p1 s18, s16  }
0x25: {  	s18 =	smulhi.u32 @!p1 $0x3D019BCB, s17;
	_ =	sdelay $0x1  }
0x26: {  	s16 =	smulhi.u32 @!p1 $0x3D019BCB, s16;
	s18 =	sshrl.u32 @!p1 s18, $0x12  }
0x27: {  	s18 =	smul.u32 @!p1 $0x10C900, s18  }
0x28: {  	s19 =	sxor.u32 @!p1 $0xFFFFFFFF, s13;
	s16 =	sshrl.u32 @!p1 s16, $0x12  }
0x29: {  	s19 =	sshll.u32 @!p1 s19, $0xC;
	s16 =	sand.u32 @!p1 $0xF, s16;
	s17 =	ssub.s32 @!p1 s17, s18  }
0x2a: {  	s16 =	smul.u32 @!p1 $0x21920, s16;
	s18 =	sshrl.u32 @!p1 s17, $0x3;
	s17 =	sand.u32 @!p1 $0x7, s17  }
0x2b: {  	s19 =	sand.u32 @!p1 $0x1000, s19;
	s18 =	sadd.s32 @!p1 s2, s18;
	s17 =	sshll.u32 @!p1 s17, $0x12  }
0x2c: {  	s16 =	sadd.s32 @!p1 s16, s18;
	s17 =	sor.u32 @!p1 $0x800, s17;
	s18 =	simm.s32 @!p1 $0x864800  }
0x2d: {  	[tilespmem:s19], [sflag:$0x1] =	stream.strided.gather @!p1 [hbm4b:s16+s17], $0x1000, s18, s17, $0x38;
	[tilespmem:$0x4200] =	vst v63  }
0x2e: {  	p1 =	seq.s32 s13, $0x0  }
0x2f: {  	p2 =	sge.u32 @!p1 s13, s7  }
0x30: {  	p1 =	por p1, p2  }
.Ltmp2:
0x31: {  	_ = 	snop;
	(pc) =	sbr.rel @p1 .LBB1_5-.Ltmp2, $1  }
0x32: {  	_ =	sdelay $0x3  }
0x33: {  	s18 =	simm.s32 $0x0  }
0x34: {  	s19 =	sand.u32 $0x800, s18;
	s20 =	sand.u32 $0x380, s18  }
0x35: {  	s16 =	sand.u32 $0x1, s13;
	s20 =	sor.u32 s20, s19  }
0x36: {  	_ =	swait.ge [sflag:s4], $0x1000;
	s17 =	sshll.u32 s16, $0xC;
	s19 =	sand.u32 $0xB00, s20  }
0x37: {  	[sflag:s4] =	ssyncset.done $0x0;
	s18 =	sand.u32 $0x80, s18;
	s19 =	sadd.s32 s19, s17  }
0x38: {  	[sflag:s4] =	ssyncadd.s32 $0xFFFFF000;
	s22 =	sadd.s32 s18, s19  }
0x39: {  	v4 =	vld [tilespmem:s22+$0x400]  }
0x3a: {  	s21 =	simm.s32 $0x1;
	v5 =	vld [tilespmem:s22+$0x0]  }
0x3b: {  	s21 =	simm.s32 @!p0 $0x0;
	v6 =	vld [tilespmem:s22+$0x10]  }
0x3c: {  	v0 =	vmov s17;
	s31 =	smul.u32 $0x4400, s21;
	v7 =	vld [tilespmem:s22+$0x20]  }
0x3d: {  	v9 =	vld [tilespmem:s22+$0x30]  }
0x3e: {  	s18 =	sshrl.u32 s31, $0x2;
	v10 =	vld [tilespmem:s22+$0x40]  }
0x3f: {  	s18 =	sor.u32 $0x2000, s18;
	v11 =	vld [tilespmem:s22+$0x50]  }
0x40: {  	v8 =	vld [tilespmem:s22+$0x60];
	s19 =	sadd.s32 $0x0, s18  }
0x41: {  	v1 =	vld.idx.msk [tilespmem:v0+s20+$0x410 ss:$0x1], $0xffff;
	[tilespmem:s19+$0x880 ss:$0x11] =	vst.msk $0xffff, v4  }
0x42: {  	v2 =	vld.idx.msk [tilespmem:v0+s20+$0x420 ss:$0x1], $0xffff;
	[tilespmem:s19+$0x0 ss:$0x11] =	vst.msk $0xffff, v5  }
0x43: {  	v3 =	vld.idx.msk [tilespmem:v0+s20+$0x430 ss:$0x1], $0xffff;
	[tilespmem:s19+$0x110 ss:$0x11] =	vst.msk $0xffff, v6  }
0x44: {  	s16 =	smul.u32 $0x4400, s16;
	[tilespmem:s19+$0x220 ss:$0x11] =	vst.msk $0xffff, v7;
	v7 =	vld [tilespmem:s22+$0x70]  }
0x45: {  	s23 =	simm.s32 $0x100;
	s24 =	simm.s32 $0x8;
	[tilespmem:s19+$0x330 ss:$0x11] =	vst.msk $0xffff, v9;
	v4 =	vld.idx.msk [tilespmem:v0+s20+$0x440 ss:$0x1], $0xffff  }
0x46: {  	s25 =	sand.u32 $0x800, s23;
	s16 =	sshrl.u32 s16, $0x2;
	[tilespmem:s19+$0x440 ss:$0x11] =	vst.msk $0xffff, v10;
	v5 =	vld.idx.msk [tilespmem:v0+s20+$0x450 ss:$0x1], $0xffff;
	s22 =	simm.s32 $0x80  }
0x47: {  	s21 =	simm.s32 $0x4;
	s16 =	sor.u32 $0x2000, s16;
	[tilespmem:s19+$0x550 ss:$0x11] =	vst.msk $0xffff, v11;
	v6 =	vld.idx.msk [tilespmem:v0+s20+$0x460 ss:$0x1], $0xffff;
	s26 =	sand.u32 $0x380, s22  }
.LBB1_3:
0x48: {  	p1 =	sne.s32 s24, $0x3C;
	[tilespmem:s19+$0x660 ss:$0x11] =	vst.msk $0xffff, v8;
	v8 =	vld.idx.msk [tilespmem:v0+s20+$0x470 ss:$0x1], $0xffff;
	s20 =	sor.u32 s26, s25  }
0x49: {  	s25 =	sand.u32 $0xB00, s20;
	v9 =	vld.idx.msk [tilespmem:v0+s20+$0x410 ss:$0x1], $0xffff;
	[tilespmem:s19+$0x770 ss:$0x11] =	vst.msk $0xffff, v7  }
0x4a: {  	s26 =	sand.u32 $0x80, s22;
	s25 =	sadd.s32 s25, s17;
	v7 =	vld.idx.msk [tilespmem:v0+s20+$0x420 ss:$0x1], $0xffff;
	[tilespmem:s19+$0x990 ss:$0x11] =	vst.msk $0xffff, v1  }
0x4b: {  	s25 =	sadd.s32 s26, s25;
	v10 =	vld.idx.msk [tilespmem:v0+s20+$0x430 ss:$0x1], $0xffff;
	[tilespmem:s19+$0xAA0 ss:$0x11] =	vst.msk $0xffff, v2  }
0x4c: {  	v11 =	vld [tilespmem:s25+$0x400];
	[tilespmem:s19+$0xBB0 ss:$0x11] =	vst.msk $0xffff, v3  }
0x4d: {  	v12 =	vld [tilespmem:s25+$0x0];
	[tilespmem:s19+$0xCC0 ss:$0x11] =	vst.msk $0xffff, v4  }
0x4e: {  	v4 =	vld [tilespmem:s25+$0x10];
	[tilespmem:s19+$0xDD0 ss:$0x11] =	vst.msk $0xffff, v5  }
0x4f: {  	s26 =	sshra.s32 s21, $0x2;
	s21 =	smov.u32 s24;
	v1 =	vmov v9;
	v5 =	vld [tilespmem:s25+$0x20];
	[tilespmem:s19+$0xEE0 ss:$0x11] =	vst.msk $0xffff, v6  }
0x50: {  	v2 =	vmov v7;
	v6 =	vld [tilespmem:s25+$0x30];
	[tilespmem:s19+$0xFF0 ss:$0x11] =	vst.msk $0xffff, v8;
	s19 =	sadd.s32 s26, s18  }
0x51: {  	v3 =	vmov v10;
	v9 =	vld [tilespmem:s25+$0x40];
	[tilespmem:s19+$0x880 ss:$0x11] =	vst.msk $0xffff, v11  }
0x52: {  	[tilespmem:s19+$0x0 ss:$0x11] =	vst.msk $0xffff, v12;
	v10 =	vld [tilespmem:s25+$0x50]  }
.Ltmp3:
0x53: {  	[tilespmem:s19+$0x110 ss:$0x11] =	vst.msk $0xffff, v4;
	v8 =	vld [tilespmem:s25+$0x60];
	(pc) =	sbr.rel @p1 .LBB1_3-.Ltmp3, $4  }
0x54: {  	[tilespmem:s19+$0x220 ss:$0x11] =	vst.msk $0xffff, v5;
	v7 =	vld [tilespmem:s25+$0x70]  }
0x55: {  	[tilespmem:s19+$0x330 ss:$0x11] =	vst.msk $0xffff, v6;
	v4 =	vld.idx.msk [tilespmem:v0+s20+$0x440 ss:$0x1], $0xffff  }
0x56: {  	s22 =	sadd.s32 $0x80, s22;
	s23 =	sadd.s32 $0x100, s23;
	[tilespmem:s19+$0x440 ss:$0x11] =	vst.msk $0xffff, v9;
	v5 =	vld.idx.msk [tilespmem:v0+s20+$0x450 ss:$0x1], $0xffff  }
0x57: {  	s24 =	sadd.s32 $0x4, s24;
	s26 =	sand.u32 $0x380, s22;
	s25 =	sand.u32 $0x800, s23;
	[tilespmem:s19+$0x550 ss:$0x11] =	vst.msk $0xffff, v10;
	v6 =	vld.idx.msk [tilespmem:v0+s20+$0x460 ss:$0x1], $0xffff  }
0x58: {  	_ =	sdelay $0x3  }
0x59: {  	s23 =	sor.u32 s26, s25;
	v47 =	vld.idx.msk [tilespmem:v0+s20+$0x470 ss:$0x1], $0xffff  }
0x5a: {  	v48 =	vld.idx.msk [tilespmem:v0+s23+$0x410 ss:$0x1], $0xffff  }
0x5b: {  	v49 =	vld.idx.msk [tilespmem:v0+s23+$0x420 ss:$0x1], $0xffff  }
0x5c: {  	[tilespmem:s19+$0x660 ss:$0x11] =	vst.msk $0xffff, v8;
	v59 =	vld.idx.msk [tilespmem:v0+s23+$0x430 ss:$0x1], $0xffff  }
0x5d: {  	[tilespmem:s19+$0x990 ss:$0x11] =	vst.msk $0xffff, v1;
	v60 =	vld.idx.msk [tilespmem:v0+s23+$0x440 ss:$0x1], $0xffff  }
0x5e: {  	[tilespmem:s19+$0xAA0 ss:$0x11] =	vst.msk $0xffff, v2;
	s29 =	sand.u32 $0xB00, s23;
	v61 =	vld.idx.msk [tilespmem:v0+s23+$0x450 ss:$0x1], $0xffff  }
0x5f: {  	s22 =	sand.u32 $0x80, s22;
	[tilespmem:s19+$0xBB0 ss:$0x11] =	vst.msk $0xffff, v3;
	v62 =	vld.idx.msk [tilespmem:v0+s23+$0x460 ss:$0x1], $0xffff;
	s17 =	sadd.s32 s29, s17  }
0x60: {  	[tilespmem:s19+$0x770 ss:$0x11] =	vst.msk $0xffff, v7;
	v63 =	vld.idx.msk [tilespmem:v0+s23+$0x470 ss:$0x1], $0xffff;
	s20 =	sadd.s32 s22, s17  }
0x61: {  	[tilespmem:s19+$0xCC0 ss:$0x11] =	vst.msk $0xffff, v4;
	v50 =	vld [tilespmem:s20+$0x400]  }
0x62: {  	[tilespmem:s19+$0xDD0 ss:$0x11] =	vst.msk $0xffff, v5;
	v51 =	vld [tilespmem:s20+$0x0]  }
0x63: {  	s30 =	sshra.s32 s21, $0x2;
	v52 =	vld [tilespmem:s20+$0x10];
	[tilespmem:s19+$0xEE0 ss:$0x11] =	vst.msk $0xffff, v6  }
0x64: {  	s17 =	sadd.s32 s30, s18;
	v53 =	vld [tilespmem:s20+$0x20];
	[tilespmem:s19+$0xFF0 ss:$0x11] =	vst.msk $0xffff, v47  }
0x65: {  	s31 =	sshll.u32 s9, $0x7;
	s21 =	sshll.u32 s10, $0x3;
	v54 =	vld [tilespmem:s20+$0x30];
	[tilespmem:s17+$0x990 ss:$0x11] =	vst.msk $0xffff, v48  }
0x66: {  	s22 =	sand.u32 $0xFFFFFC00, s31;
	v55 =	vld [tilespmem:s20+$0x40];
	s19 =	sand.u32 $0xFFFFFC00, s21;
	[tilespmem:s17+$0xAA0 ss:$0x11] =	vst.msk $0xffff, v49  }
0x67: {  	s18 =	sand.u32 $0x380, s31;
	v56 =	vld [tilespmem:s20+$0x50];
	s19 =	sadd.s32 s19, s22;
	[tilespmem:s17+$0xBB0 ss:$0x11] =	vst.msk $0xffff, v59  }
0x68: {  	p1 =	sgt.s32 s9, $0x10C7E0;
	v57 =	vld [tilespmem:s20+$0x60];
	[tilespmem:s17+$0xCC0 ss:$0x11] =	vst.msk $0xffff, v60;
	s18 =	sor.u32 s18, s19  }
0x69: {  	s25 =	sshra.s32 s9, $0x1F;
	v58 =	vld [tilespmem:s20+$0x70];
	s20 =	smov.u32 s9;
	[tilespmem:s17+$0xDD0 ss:$0x11] =	vst.msk $0xffff, v61;
	s18 =	sshrl.u32 s18, $0x7  }
0x6a: {  	s20 =	simm.s32 @!p1 $0x10C7E0;
	[tilespmem:s17+$0xEE0 ss:$0x11] =	vst.msk $0xffff, v62;
	s24 =	smulhi.u32 $0x1E81081, s18  }
0x6b: {  	s21 =	sand.u32 s25, s9;
	p1 =	sgt.s32 s10, $0x70;
	s22 =	smov.u32 s10;
	[tilespmem:s17+$0xFF0 ss:$0x11] =	vst.msk $0xffff, v63  }
0x6c: {  	s20 =	ssub.s32 s20, s21;
	[tilespmem:s17+$0x880 ss:$0x11] =	vst.msk $0xffff, v50;
	s19 =	sshrl.u32 s24, $0xD;
	s24 =	sshra.s32 s10, $0x1F  }
0x6d: {  	s22 =	simm.s32 @!p1 $0x70;
	s27 =	sadd.s32 $0xFFEF3820, s20;
	[tilespmem:s17+$0x0 ss:$0x11] =	vst.msk $0xffff, v51;
	s26 =	sand.u32 s24, s10  }
0x6e: {  	s20 =	ssub.s32 $0x10C8E0, s20;
	p1 =	sgt.s32 s27, $0xFF;
	[tilespmem:s17+$0x110 ss:$0x11] =	vst.msk $0xffff, v52;
	s21 =	ssub.s32 s22, s26  }
0x6f: {  	s28 =	sshrl.u32 s10, $0x3;
	[tilespmem:s17+$0x220 ss:$0x11] =	vst.msk $0xffff, v53;
	s20 =	simm.s32 @p1 $0x0;
	s22 =	sadd.s32 $0xFFFFFF90, s21  }
0x70: {  	[tilespmem:s17+$0x330 ss:$0x11] =	vst.msk $0xffff, v54;
	s19 =	smul.u32 $0x10C8E0, s19;
	s21 =	ssub.s32 $0x80, s21;
	p1 =	sgt.s32 s22, $0xF  }
.Ltmp4:
0x71: {  	s29 =	sand.u32 $0x7, s10;
	[tilespmem:s17+$0x440 ss:$0x11] =	vst.msk $0xffff, v55;
	s21 =	simm.s32 @p1 $0x0;
	(pc) =	sbr.rel .LBB1_5-.Ltmp4, $4  }
0x72: {  	[tilespmem:s17+$0x550 ss:$0x11] =	vst.msk $0xffff, v56;
	s18 =	ssub.s32 s18, s19;
	s19 =	sand.u32 $0xF, s28;
	s20 =	smul.u32 s21, s20  }
0x73: {  	[tilespmem:s17+$0x660 ss:$0x11] =	vst.msk $0xffff, v57;
	s18 =	sshll.u32 s18, $0x4;
	s19 =	sadd.s32 s5, s19;
	s21 =	sshll.u32 s29, $0x12  }
0x74: {  	[tilespmem:s17+$0x770 ss:$0x11] =	vst.msk $0xffff, v58;
	s18 =	sadd.s32 s18, s19;
	s31 =	sor.u32 $0x10, s21;
	s30 =	sand.u32 $0x3FFFFFFF, s20  }
0x75: {  	[hbm4b:s18+s31] =	stream.strided.scatter [tilespmem:s16], [sflag:$0x2], s30, s8, s31, $0x8;
	[tilespmem:$0x4200] =	vst v63  }
.LBB1_6:
0x76: {  	_ =	sfence.sel $0x180000  }
0x77: {  	s2 =	simm.s32 $0x1;
	[bflag:$0x0] =	sbarrier.arrive $0xFFFF  }
0x78: {  	s31 =	simm.s32 $0x2;
	[sflag:s2] =	ssyncpa.u1 $0x1  }
0x79: {  	[sflag:s31] =	ssyncpa.u1 $0x1  }
0x7a: {  	p0 =	sne.s32 s1, $0x0;
	_ =	strace $0x90000047  }
0x7b: {  	s0 =	sadd.s32 @!p0 $0x100000, s0;
	[bflag:$0x2] =	sbarrier.arrive $0xFFFF  }
0x7c: {  	[sflag:s0] =	ssyncadd.tile.s32 @!p0 $0x1;
	_ =	shalt  }
.Lfunc_end1:
_tile_overlayer_lowered:
.L_overlay_start_2:
0x7d: {  	(tag) =	ssettag $0x2  }
0x7e: {  	s0 =	rddreg [dreg:$0x0];
	s2 =	stileid.u32  }
0x7f: {  	s1 =	rddreg [dreg:$0x1];
	p0 =	sne.s32 s2, $0x0  }
0x80: {  	s3 =	rddreg [dreg:$0x2];
	[bflag:$0x3] =	sbarrier.arrive $0xFFFF;
	s2 =	simm.s32 @!p0 $0x1C01  }
0x81: {  	[timem:s3], [sflag:s2] =	dma.local @!p0 [hbm:s0], s1  }
0x82: {  	s0 =	simm.s32 @!p0 $0x1  }
0x83: {  	_ =	swait.ge @!p0 [sflag:s0], s1  }
0x84: {  	s1 =	ssub.s32 @!p0 $0x0, s1;
	[sflag:s0] =	ssyncset.done @!p0 $0x0  }
0x85: {  	[sflag:s0] =	ssyncadd.s32 @!p0 s1  }
0x86: {  	[bflag:$0x3] =	sbarrier.arrive $0xFFFF  }
0x87: {  	_ =	shalt  }

</sc_bundles>
